<compile_context>
chip_gen: v7x
topology: tpu7x:2x2x1
jax: 0.10.2.dev20260603
libtpu: 0.0.44.dev20260713+nightly
codegen_flags: <defaults>
</compile_context>

<pallas_src>
import functools

import jax
import jax.numpy as jnp
from jax import lax
from jax.experimental import pallas as pl
from jax.experimental.pallas import tpu as pltpu
from jax.experimental.pallas import tpu_sc as plsc

B = 16384
F = 32
L = 16
NC = 2
NS = 16
NW = NC * NS
BPW = B // NW
HB = BPW // 2
RPL = 4
LINES = 1000000 // RPL

_mesh = plsc.VectorSubcoreMesh(core_axis_name="c", subcore_axis_name="s")

_GATHER_DNUMS = lax.GatherDimensionNumbers(
    offset_dims=(), collapsed_slice_dims=(0,), start_index_map=(0,))


def _shuffle(v, idx):
    return lax.gather(v, idx[:, None], _GATHER_DNUMS, (1,),
                      mode=lax.GatherScatterMode.PROMISE_IN_BOUNDS)


@functools.partial(
    pl.kernel,
    mesh=_mesh,
    out_type=jax.ShapeDtypeStruct((B,), jnp.float32),
    scratch_types=[
        pltpu.VMEM((BPW,), jnp.int32),
        pltpu.VMEM((BPW,), jnp.int32),
        pltpu.VMEM((2, 128), jnp.int32),
        pltpu.VMEM((2, 128), jnp.int32),
        pltpu.VMEM((HB, 128), jnp.float32),
        pltpu.VMEM((HB, 128), jnp.float32),
        pltpu.VMEM((BPW,), jnp.float32),
        pltpu.SemaphoreType.DMA,
        pltpu.SemaphoreType.DMA,
    ],
)
def _gmf_kernel(uids_hbm, iids_hbm, utab_hbm, itab_hbm, out_hbm,
                uid_v, iid_v, ul_v, il_v, ur_v, ir_v, o_v, usem, isem):
    wid = lax.axis_index("s") * NC + lax.axis_index("c")
    base = wid * BPW

    pltpu.sync_copy(uids_hbm.at[pl.ds(base, BPW)], uid_v)
    pltpu.sync_copy(iids_hbm.at[pl.ds(base, BPW)], iid_v)

    lanes = lax.iota(jnp.int32, L)
    rolls = [(lanes + d) & (L - 1) for d in (8, 4, 2, 1)]

    def half(h, carry):
        h0 = h * HB

        def lid_body(c, cc):
            for j in range(8):
                off = c * 128 + j * L
                ul_v[c, pl.ds(j * L, L)] = (
                    uid_v[pl.ds(h0 + off, L)] >> 2)
                il_v[c, pl.ds(j * L, L)] = (
                    iid_v[pl.ds(h0 + off, L)] >> 2)
            return cc

        lax.fori_loop(0, 2, lid_body, 0)

        cps = []
        for c in range(2):
            cps.append(pltpu.async_copy(
                utab_hbm.at[ul_v.at[c]],
                ur_v.at[pl.ds(c * 128, 128), :], usem))
            cps.append(pltpu.async_copy(
                itab_hbm.at[il_v.at[c]],
                ir_v.at[pl.ds(c * 128, 128), :], isem))
        for cp in cps:
            cp.wait()

        def group_body(g, cc):
            r0 = g * L
            uvec = uid_v[pl.ds(h0 + r0, L)]
            ivec = iid_v[pl.ds(h0 + r0, L)]
            uq = (uvec & 3) * F
            iq = (ivec & 3) * F
            acc = jnp.zeros((L,), jnp.float32)
            for k in range(L):
                r = r0 + k
                uo = uq[k]
                io = iq[k]
                u0 = ur_v[r, pl.ds(uo, L)]
                u1 = ur_v[r, pl.ds(uo + L, L)]
                i0 = ir_v[r, pl.ds(io, L)]
                i1 = ir_v[r, pl.ds(io + L, L)]
                s = u0 * i0 + u1 * i1
                for rr in rolls:
                    s = s + _shuffle(s, rr)
                acc = jnp.where(lanes == k, s, acc)
            o_v[pl.ds(h0 + r0, L)] = 1.0 / (1.0 + jnp.exp(-acc))
            return cc

        lax.fori_loop(0, HB // L, group_body, 0)
        return carry

    lax.fori_loop(0, 2, half, 0)

    pltpu.sync_copy(o_v, out_hbm.at[pl.ds(base, BPW)])


_UB = 16384
_GRID = -(-1000000 // _UB)


def _relayout_body(in_ref, out_ref):
    y = jnp.swapaxes(in_ref[...], 0, 1)
    y3 = y.reshape(_UB // RPL, RPL, F)
    out_ref[...] = jnp.concatenate([y3[:, q, :] for q in range(RPL)], axis=1)


def _to_lines(table_t):
    return pl.pallas_call(
        _relayout_body,
        grid=(_GRID,),
        in_specs=[pl.BlockSpec((F, _UB), lambda b: (0, b))],
        out_specs=pl.BlockSpec((_UB // RPL, 128), lambda b: (b, 0)),
        out_shape=jax.ShapeDtypeStruct((LINES, 128), jnp.float32),
    )(table_t)


def kernel(user_ids, item_ids, user_table, item_table):
    return _gmf_kernel(user_ids.astype(jnp.int32), item_ids.astype(jnp.int32),
                       user_table.reshape(LINES, 128),
                       _to_lines(item_table.T))

# --- scband reference (transcript-rebuilt; emitter-appended) ---
"""Pipeline reference for scband-gmf-4217657885297 (READ-ONLY COPY).

The authoritative reference and input builder live on the scoring server;
editing this copy changes nothing except your own understanding.
"""

import jax, jax.numpy as jnp
import numpy as np

NUM_USERS = 1000000
NUM_ITEMS = 1000000
NUM_FACTORS = 32
BATCH = 16384


def setup_inputs(seed: int = 0) -> dict:
    key = jax.random.key(seed)
    k1, k2, k3, k4 = jax.random.split(key, 4)
    user_ids = jax.random.randint(k1, (BATCH,), 0, NUM_USERS, dtype=jnp.int64 if jax.config.jax_enable_x64 else jnp.int32)
    item_ids = jax.random.randint(k2, (BATCH,), 0, NUM_ITEMS, dtype=jnp.int64 if jax.config.jax_enable_x64 else jnp.int32)
    user_table = 0.01 * jax.random.normal(k3, (NUM_USERS, NUM_FACTORS), dtype=jnp.float32)
    item_table = 0.01 * jax.random.normal(k4, (NUM_ITEMS, NUM_FACTORS), dtype=jnp.float32)
    return {"user_ids": user_ids, "item_ids": item_ids, "user_table": user_table, "item_table": item_table}


def reference(user_ids, item_ids, user_table, item_table):
    user_embedding = jnp.take(user_table, user_ids, axis=0)  # [B, F]
    item_embedding = jnp.take(item_table, item_ids, axis=0)  # [B, F]
    output = jnp.sum(user_embedding * item_embedding, axis=1)  # [B]
    return jax.nn.sigmoid(output)

if __name__ == "__main__":
    import jax
    _d = setup_inputs()
    print(jax.jit(kernel)(*tuple(_d.values())))

</pallas_src>

<mosaic_0001>
#map = affine_map<(d0, d1) -> (0)>
#map1 = affine_map<(d0, d1) -> (0, 0)>
module attributes {stable_mosaic.version = 14 : i64} {
  func.func @_gmf_kernel(%arg0: i32, %arg1: i32, %arg2: memref<16384xi32, #tpu.memory_space<hbm>>, %arg3: memref<16384xi32, #tpu.memory_space<hbm>>, %arg4: memref<250000x128xf32, #tpu.memory_space<hbm>>, %arg5: memref<250000x128xf32, #tpu.memory_space<hbm>>, %arg6: memref<16384xf32, #tpu.memory_space<hbm>>, %arg7: memref<512xi32, #tpu.memory_space<vmem>>, %arg8: memref<512xi32, #tpu.memory_space<vmem>>, %arg9: memref<2x128xi32, #tpu.memory_space<vmem>>, %arg10: memref<2x128xi32, #tpu.memory_space<vmem>>, %arg11: memref<256x128xf32, #tpu.memory_space<vmem>>, %arg12: memref<256x128xf32, #tpu.memory_space<vmem>>, %arg13: memref<512xf32, #tpu.memory_space<vmem>>, %arg14: memref<!tpu.dma_semaphore, #tpu.memory_space<semaphore_mem>>, %arg15: memref<!tpu.dma_semaphore, #tpu.memory_space<semaphore_mem>>) attributes {dimension_semantics = [#tpu.dimension_semantics<core_parallel>, #tpu.dimension_semantics<subcore_parallel>], iteration_bounds = array<i64: 2, 16>, scalar_prefetch = 0 : i64, scratch_operands = 9 : i64, tpu.core_type = #tpu.core_type<sc_vector_subcore>, window_params = [{transform_indices = #map}, {transform_indices = #map}, {transform_indices = #map1}, {transform_indices = #map1}, {transform_indices = #map}]} {
    %mul3A = arith.constant 2 : i32
    %mul3A_0 = arith.muli %arg1, %mul3A : i32
    %add3A = arith.addi %mul3A_0, %arg0 : i32
    %mul3A_1 = arith.constant 512 : i32
    %mul3A_2 = arith.muli %add3A, %mul3A_1 : i32
    "tpu.region"() ({
      %run_scoped3A = tpu.sem_alloc : memref<!tpu.dma_semaphore, #tpu.memory_space<semaphore_mem>>
      %dma_start3A = tpu.memref_slice %arg2[%mul3A_2] : memref<16384xi32, #tpu.memory_space<hbm>> -> memref<512xi32, #tpu.memory_space<hbm>>
      %dma_start3A_31 = tpu.memref_slice %arg2[%mul3A_2] : memref<16384xi32, #tpu.memory_space<hbm>> -> memref<512xi32, #tpu.memory_space<hbm>>
      tpu.enqueue_dma source(%dma_start3A_31 : memref<512xi32, #tpu.memory_space<hbm>>) target(%arg7 : memref<512xi32, #tpu.memory_space<vmem>>) target_semaphore(%run_scoped3A : memref<!tpu.dma_semaphore, #tpu.memory_space<semaphore_mem>>)
      %dma_wait3A = tpu.memref_slice %arg2[%mul3A_2] : memref<16384xi32, #tpu.memory_space<hbm>> -> memref<512xi32, #tpu.memory_space<hbm>>
      %dma_wait3A_32 = tpu.memref_slice %arg2[%mul3A_2] : memref<16384xi32, #tpu.memory_space<hbm>> -> memref<512xi32, #tpu.memory_space<hbm>>
      tpu.wait_dma2 semaphore(%run_scoped3A : memref<!tpu.dma_semaphore, #tpu.memory_space<semaphore_mem>>) src(%dma_wait3A_32 : memref<512xi32, #tpu.memory_space<hbm>>) dst(%arg7 : memref<512xi32, #tpu.memory_space<vmem>>)
      tpu.yield
    }) : () -> ()
    "tpu.region"() ({
      %run_scoped3A = tpu.sem_alloc : memref<!tpu.dma_semaphore, #tpu.memory_space<semaphore_mem>>
      %dma_start3A = tpu.memref_slice %arg3[%mul3A_2] : memref<16384xi32, #tpu.memory_space<hbm>> -> memref<512xi32, #tpu.memory_space<hbm>>
      %dma_start3A_31 = tpu.memref_slice %arg3[%mul3A_2] : memref<16384xi32, #tpu.memory_space<hbm>> -> memref<512xi32, #tpu.memory_space<hbm>>
      tpu.enqueue_dma source(%dma_start3A_31 : memref<512xi32, #tpu.memory_space<hbm>>) target(%arg8 : memref<512xi32, #tpu.memory_space<vmem>>) target_semaphore(%run_scoped3A : memref<!tpu.dma_semaphore, #tpu.memory_space<semaphore_mem>>)
      %dma_wait3A = tpu.memref_slice %arg3[%mul3A_2] : memref<16384xi32, #tpu.memory_space<hbm>> -> memref<512xi32, #tpu.memory_space<hbm>>
      %dma_wait3A_32 = tpu.memref_slice %arg3[%mul3A_2] : memref<16384xi32, #tpu.memory_space<hbm>> -> memref<512xi32, #tpu.memory_space<hbm>>
      tpu.wait_dma2 semaphore(%run_scoped3A : memref<!tpu.dma_semaphore, #tpu.memory_space<semaphore_mem>>) src(%dma_wait3A_32 : memref<512xi32, #tpu.memory_space<hbm>>) dst(%arg8 : memref<512xi32, #tpu.memory_space<vmem>>)
      tpu.yield
    }) : () -> ()
    %iota3A = tpu.iota {dimensions = array<i32: 0>} : vector<16xi32>
    %add3A_3 = arith.constant 8 : i32
    %add3A_4 = vector.broadcast %add3A_3 : i32 to vector<16xi32>
    %add3A_5 = arith.addi %iota3A, %add3A_4 : vector<16xi32>
    %and3A = arith.constant 15 : i32
    %and3A_6 = vector.broadcast %and3A : i32 to vector<16xi32>
    %and3A_7 = arith.andi %add3A_5, %and3A_6 : vector<16xi32>
    %add3A_8 = arith.constant 4 : i32
    %add3A_9 = vector.broadcast %add3A_8 : i32 to vector<16xi32>
    %add3A_10 = arith.addi %iota3A, %add3A_9 : vector<16xi32>
    %and3A_11 = arith.constant 15 : i32
    %and3A_12 = vector.broadcast %and3A_11 : i32 to vector<16xi32>
    %and3A_13 = arith.andi %add3A_10, %and3A_12 : vector<16xi32>
    %add3A_14 = arith.constant 2 : i32
    %add3A_15 = vector.broadcast %add3A_14 : i32 to vector<16xi32>
    %add3A_16 = arith.addi %iota3A, %add3A_15 : vector<16xi32>
    %and3A_17 = arith.constant 15 : i32
    %and3A_18 = vector.broadcast %and3A_17 : i32 to vector<16xi32>
    %and3A_19 = arith.andi %add3A_16, %and3A_18 : vector<16xi32>
    %add3A_20 = arith.constant 1 : i32
    %add3A_21 = vector.broadcast %add3A_20 : i32 to vector<16xi32>
    %add3A_22 = arith.addi %iota3A, %add3A_21 : vector<16xi32>
    %and3A_23 = arith.constant 15 : i32
    %and3A_24 = vector.broadcast %and3A_23 : i32 to vector<16xi32>
    %and3A_25 = arith.andi %add3A_22, %and3A_24 : vector<16xi32>
    %scan3A = arith.constant 0 : i32
    %scan3A_26 = arith.constant 0 : i32
    %scan3A_27 = arith.constant 2 : i32
    %scan3A_28 = arith.addi %scan3A_26, %scan3A_27 : i32
    %scan3A_29 = arith.constant 1 : i32
    scf.for %scan3A_31 = %scan3A_26 to %scan3A_28 step %scan3A_29  : i32 {
      %mul3A_32 = arith.constant 256 : i32
      %mul3A_33 = arith.muli %scan3A_31, %mul3A_32 : i32
      %scan3A_34 = arith.constant 0 : i32
      %scan3A_35 = arith.constant 0 : i32
      %scan3A_36 = arith.constant 2 : i32
      %scan3A_37 = arith.addi %scan3A_35, %scan3A_36 : i32
      %scan3A_38 = arith.constant 1 : i32
      scf.for %scan3A_124 = %scan3A_35 to %scan3A_37 step %scan3A_38  : i32 {
        %mul3A_125 = arith.constant 128 : i32
        %mul3A_126 = arith.muli %scan3A_124, %mul3A_125 : i32
        %add3A_127 = arith.constant 0 : i32
        %add3A_128 = arith.addi %mul3A_126, %add3A_127 : i32
        %add3A_129 = arith.addi %mul3A_33, %add3A_128 : i32
        %get3A = arith.index_cast %add3A_129 : i32 to index
        %get3A_130 = tpu.vector_load %arg7[%get3A] {strides = array<i32>} : memref<512xi32, #tpu.memory_space<vmem>>, vector<16xi32>,
        %get3A_131 = vector.shape_cast %get3A_130 : vector<16xi32> to vector<16xi32>
        %shift_right_arithmetic3A = arith.constant 2 : i32
        %shift_right_arithmetic3A_132 = vector.broadcast %shift_right_arithmetic3A : i32 to vector<16xi32>
        %shift_right_arithmetic3A_133 = arith.shrsi %get3A_131, %shift_right_arithmetic3A_132 : vector<16xi32>
        %swap3A = arith.index_cast %scan3A_124 : i32 to index
        %swap3A_134 = arith.constant 0 : index
        %swap3A_135 = tpu.vector_load %arg9[%swap3A, %swap3A_134] {strides = array<i32>} : memref<2x128xi32, #tpu.memory_space<vmem>>, vector<1x16xi32>,
        %swap3A_136 = vector.shape_cast %swap3A_135 : vector<1x16xi32> to vector<16xi32>
        %swap3A_137 = vector.shape_cast %shift_right_arithmetic3A_133 : vector<16xi32> to vector<1x16xi32>
        tpu.vector_store %arg9[%swap3A, %swap3A_134], %swap3A_137 {strides = array<i32>} : memref<2x128xi32, #tpu.memory_space<vmem>>, vector<1x16xi32>,
        %add3A_138 = arith.addi %mul3A_33, %add3A_128 : i32
        %get3A_139 = arith.index_cast %add3A_138 : i32 to index
        %get3A_140 = tpu.vector_load %arg8[%get3A_139] {strides = array<i32>} : memref<512xi32, #tpu.memory_space<vmem>>, vector<16xi32>,
        %get3A_141 = vector.shape_cast %get3A_140 : vector<16xi32> to vector<16xi32>
        %shift_right_arithmetic3A_142 = arith.constant 2 : i32
        %shift_right_arithmetic3A_143 = vector.broadcast %shift_right_arithmetic3A_142 : i32 to vector<16xi32>
        %shift_right_arithmetic3A_144 = arith.shrsi %get3A_141, %shift_right_arithmetic3A_143 : vector<16xi32>
        %swap3A_145 = arith.index_cast %scan3A_124 : i32 to index
        %swap3A_146 = arith.constant 0 : index
        %swap3A_147 = tpu.vector_load %arg10[%swap3A_145, %swap3A_146] {strides = array<i32>} : memref<2x128xi32, #tpu.memory_space<vmem>>, vector<1x16xi32>,
        %swap3A_148 = vector.shape_cast %swap3A_147 : vector<1x16xi32> to vector<16xi32>
        %swap3A_149 = vector.shape_cast %shift_right_arithmetic3A_144 : vector<16xi32> to vector<1x16xi32>
        tpu.vector_store %arg10[%swap3A_145, %swap3A_146], %swap3A_149 {strides = array<i32>} : memref<2x128xi32, #tpu.memory_space<vmem>>, vector<1x16xi32>,
        %mul3A_150 = arith.constant 128 : i32
        %mul3A_151 = arith.muli %scan3A_124, %mul3A_150 : i32
        %add3A_152 = arith.constant 16 : i32
        %add3A_153 = arith.addi %mul3A_151, %add3A_152 : i32
        %add3A_154 = arith.addi %mul3A_33, %add3A_153 : i32
        %get3A_155 = arith.index_cast %add3A_154 : i32 to index
        %get3A_156 = tpu.vector_load %arg7[%get3A_155] {strides = array<i32>} : memref<512xi32, #tpu.memory_space<vmem>>, vector<16xi32>,
        %get3A_157 = vector.shape_cast %get3A_156 : vector<16xi32> to vector<16xi32>
        %shift_right_arithmetic3A_158 = arith.constant 2 : i32
        %shift_right_arithmetic3A_159 = vector.broadcast %shift_right_arithmetic3A_158 : i32 to vector<16xi32>
        %shift_right_arithmetic3A_160 = arith.shrsi %get3A_157, %shift_right_arithmetic3A_159 : vector<16xi32>
        %swap3A_161 = arith.index_cast %scan3A_124 : i32 to index
        %swap3A_162 = arith.constant 16 : index
        %swap3A_163 = tpu.vector_load %arg9[%swap3A_161, %swap3A_162] {strides = array<i32>} : memref<2x128xi32, #tpu.memory_space<vmem>>, vector<1x16xi32>,
        %swap3A_164 = vector.shape_cast %swap3A_163 : vector<1x16xi32> to vector<16xi32>
        %swap3A_165 = vector.shape_cast %shift_right_arithmetic3A_160 : vector<16xi32> to vector<1x16xi32>
        tpu.vector_store %arg9[%swap3A_161, %swap3A_162], %swap3A_165 {strides = array<i32>} : memref<2x128xi32, #tpu.memory_space<vmem>>, vector<1x16xi32>,
        %add3A_166 = arith.addi %mul3A_33, %add3A_153 : i32
        %get3A_167 = arith.index_cast %add3A_166 : i32 to index
        %get3A_168 = tpu.vector_load %arg8[%get3A_167] {strides = array<i32>} : memref<512xi32, #tpu.memory_space<vmem>>, vector<16xi32>,
        %get3A_169 = vector.shape_cast %get3A_168 : vector<16xi32> to vector<16xi32>
        %shift_right_arithmetic3A_170 = arith.constant 2 : i32
        %shift_right_arithmetic3A_171 = vector.broadcast %shift_right_arithmetic3A_170 : i32 to vector<16xi32>
        %shift_right_arithmetic3A_172 = arith.shrsi %get3A_169, %shift_right_arithmetic3A_171 : vector<16xi32>
        %swap3A_173 = arith.index_cast %scan3A_124 : i32 to index
        %swap3A_174 = arith.constant 16 : index
        %swap3A_175 = tpu.vector_load %arg10[%swap3A_173, %swap3A_174] {strides = array<i32>} : memref<2x128xi32, #tpu.memory_space<vmem>>, vector<1x16xi32>,
        %swap3A_176 = vector.shape_cast %swap3A_175 : vector<1x16xi32> to vector<16xi32>
        %swap3A_177 = vector.shape_cast %shift_right_arithmetic3A_172 : vector<16xi32> to vector<1x16xi32>
        tpu.vector_store %arg10[%swap3A_173, %swap3A_174], %swap3A_177 {strides = array<i32>} : memref<2x128xi32, #tpu.memory_space<vmem>>, vector<1x16xi32>,
        %mul3A_178 = arith.constant 128 : i32
        %mul3A_179 = arith.muli %scan3A_124, %mul3A_178 : i32
        %add3A_180 = arith.constant 32 : i32
        %add3A_181 = arith.addi %mul3A_179, %add3A_180 : i32
        %add3A_182 = arith.addi %mul3A_33, %add3A_181 : i32
        %get3A_183 = arith.index_cast %add3A_182 : i32 to index
        %get3A_184 = tpu.vector_load %arg7[%get3A_183] {strides = array<i32>} : memref<512xi32, #tpu.memory_space<vmem>>, vector<16xi32>,
        %get3A_185 = vector.shape_cast %get3A_184 : vector<16xi32> to vector<16xi32>
        %shift_right_arithmetic3A_186 = arith.constant 2 : i32
        %shift_right_arithmetic3A_187 = vector.broadcast %shift_right_arithmetic3A_186 : i32 to vector<16xi32>
        %shift_right_arithmetic3A_188 = arith.shrsi %get3A_185, %shift_right_arithmetic3A_187 : vector<16xi32>
        %swap3A_189 = arith.index_cast %scan3A_124 : i32 to index
        %swap3A_190 = arith.constant 32 : index
        %swap3A_191 = tpu.vector_load %arg9[%swap3A_189, %swap3A_190] {strides = array<i32>} : memref<2x128xi32, #tpu.memory_space<vmem>>, vector<1x16xi32>,
        %swap3A_192 = vector.shape_cast %swap3A_191 : vector<1x16xi32> to vector<16xi32>
        %swap3A_193 = vector.shape_cast %shift_right_arithmetic3A_188 : vector<16xi32> to vector<1x16xi32>
        tpu.vector_store %arg9[%swap3A_189, %swap3A_190], %swap3A_193 {strides = array<i32>} : memref<2x128xi32, #tpu.memory_space<vmem>>, vector<1x16xi32>,
        %add3A_194 = arith.addi %mul3A_33, %add3A_181 : i32
        %get3A_195 = arith.index_cast %add3A_194 : i32 to index
        %get3A_196 = tpu.vector_load %arg8[%get3A_195] {strides = array<i32>} : memref<512xi32, #tpu.memory_space<vmem>>, vector<16xi32>,
        %get3A_197 = vector.shape_cast %get3A_196 : vector<16xi32> to vector<16xi32>
        %shift_right_arithmetic3A_198 = arith.constant 2 : i32
        %shift_right_arithmetic3A_199 = vector.broadcast %shift_right_arithmetic3A_198 : i32 to vector<16xi32>
        %shift_right_arithmetic3A_200 = arith.shrsi %get3A_197, %shift_right_arithmetic3A_199 : vector<16xi32>
        %swap3A_201 = arith.index_cast %scan3A_124 : i32 to index
        %swap3A_202 = arith.constant 32 : index
        %swap3A_203 = tpu.vector_load %arg10[%swap3A_201, %swap3A_202] {strides = array<i32>} : memref<2x128xi32, #tpu.memory_space<vmem>>, vector<1x16xi32>,
        %swap3A_204 = vector.shape_cast %swap3A_203 : vector<1x16xi32> to vector<16xi32>
        %swap3A_205 = vector.shape_cast %shift_right_arithmetic3A_200 : vector<16xi32> to vector<1x16xi32>
        tpu.vector_store %arg10[%swap3A_201, %swap3A_202], %swap3A_205 {strides = array<i32>} : memref<2x128xi32, #tpu.memory_space<vmem>>, vector<1x16xi32>,
        %mul3A_206 = arith.constant 128 : i32
        %mul3A_207 = arith.muli %scan3A_124, %mul3A_206 : i32
        %add3A_208 = arith.constant 48 : i32
        %add3A_209 = arith.addi %mul3A_207, %add3A_208 : i32
        %add3A_210 = arith.addi %mul3A_33, %add3A_209 : i32
        %get3A_211 = arith.index_cast %add3A_210 : i32 to index
        %get3A_212 = tpu.vector_load %arg7[%get3A_211] {strides = array<i32>} : memref<512xi32, #tpu.memory_space<vmem>>, vector<16xi32>,
        %get3A_213 = vector.shape_cast %get3A_212 : vector<16xi32> to vector<16xi32>
        %shift_right_arithmetic3A_214 = arith.constant 2 : i32
        %shift_right_arithmetic3A_215 = vector.broadcast %shift_right_arithmetic3A_214 : i32 to vector<16xi32>
        %shift_right_arithmetic3A_216 = arith.shrsi %get3A_213, %shift_right_arithmetic3A_215 : vector<16xi32>
        %swap3A_217 = arith.index_cast %scan3A_124 : i32 to index
        %swap3A_218 = arith.constant 48 : index
        %swap3A_219 = tpu.vector_load %arg9[%swap3A_217, %swap3A_218] {strides = array<i32>} : memref<2x128xi32, #tpu.memory_space<vmem>>, vector<1x16xi32>,
        %swap3A_220 = vector.shape_cast %swap3A_219 : vector<1x16xi32> to vector<16xi32>
        %swap3A_221 = vector.shape_cast %shift_right_arithmetic3A_216 : vector<16xi32> to vector<1x16xi32>
        tpu.vector_store %arg9[%swap3A_217, %swap3A_218], %swap3A_221 {strides = array<i32>} : memref<2x128xi32, #tpu.memory_space<vmem>>, vector<1x16xi32>,
        %add3A_222 = arith.addi %mul3A_33, %add3A_209 : i32
        %get3A_223 = arith.index_cast %add3A_222 : i32 to index
        %get3A_224 = tpu.vector_load %arg8[%get3A_223] {strides = array<i32>} : memref<512xi32, #tpu.memory_space<vmem>>, vector<16xi32>,
        %get3A_225 = vector.shape_cast %get3A_224 : vector<16xi32> to vector<16xi32>
        %shift_right_arithmetic3A_226 = arith.constant 2 : i32
        %shift_right_arithmetic3A_227 = vector.broadcast %shift_right_arithmetic3A_226 : i32 to vector<16xi32>
        %shift_right_arithmetic3A_228 = arith.shrsi %get3A_225, %shift_right_arithmetic3A_227 : vector<16xi32>
        %swap3A_229 = arith.index_cast %scan3A_124 : i32 to index
        %swap3A_230 = arith.constant 48 : index
        %swap3A_231 = tpu.vector_load %arg10[%swap3A_229, %swap3A_230] {strides = array<i32>} : memref<2x128xi32, #tpu.memory_space<vmem>>, vector<1x16xi32>,
        %swap3A_232 = vector.shape_cast %swap3A_231 : vector<1x16xi32> to vector<16xi32>
        %swap3A_233 = vector.shape_cast %shift_right_arithmetic3A_228 : vector<16xi32> to vector<1x16xi32>
        tpu.vector_store %arg10[%swap3A_229, %swap3A_230], %swap3A_233 {strides = array<i32>} : memref<2x128xi32, #tpu.memory_space<vmem>>, vector<1x16xi32>,
        %mul3A_234 = arith.constant 128 : i32
        %mul3A_235 = arith.muli %scan3A_124, %mul3A_234 : i32
        %add3A_236 = arith.constant 64 : i32
        %add3A_237 = arith.addi %mul3A_235, %add3A_236 : i32
        %add3A_238 = arith.addi %mul3A_33, %add3A_237 : i32
        %get3A_239 = arith.index_cast %add3A_238 : i32 to index
        %get3A_240 = tpu.vector_load %arg7[%get3A_239] {strides = array<i32>} : memref<512xi32, #tpu.memory_space<vmem>>, vector<16xi32>,
        %get3A_241 = vector.shape_cast %get3A_240 : vector<16xi32> to vector<16xi32>
        %shift_right_arithmetic3A_242 = arith.constant 2 : i32
        %shift_right_arithmetic3A_243 = vector.broadcast %shift_right_arithmetic3A_242 : i32 to vector<16xi32>
        %shift_right_arithmetic3A_244 = arith.shrsi %get3A_241, %shift_right_arithmetic3A_243 : vector<16xi32>
        %swap3A_245 = arith.index_cast %scan3A_124 : i32 to index
        %swap3A_246 = arith.constant 64 : index
        %swap3A_247 = tpu.vector_load %arg9[%swap3A_245, %swap3A_246] {strides = array<i32>} : memref<2x128xi32, #tpu.memory_space<vmem>>, vector<1x16xi32>,
        %swap3A_248 = vector.shape_cast %swap3A_247 : vector<1x16xi32> to vector<16xi32>
        %swap3A_249 = vector.shape_cast %shift_right_arithmetic3A_244 : vector<16xi32> to vector<1x16xi32>
        tpu.vector_store %arg9[%swap3A_245, %swap3A_246], %swap3A_249 {strides = array<i32>} : memref<2x128xi32, #tpu.memory_space<vmem>>, vector<1x16xi32>,
        %add3A_250 = arith.addi %mul3A_33, %add3A_237 : i32
        %get3A_251 = arith.index_cast %add3A_250 : i32 to index
        %get3A_252 = tpu.vector_load %arg8[%get3A_251] {strides = array<i32>} : memref<512xi32, #tpu.memory_space<vmem>>, vector<16xi32>,
        %get3A_253 = vector.shape_cast %get3A_252 : vector<16xi32> to vector<16xi32>
        %shift_right_arithmetic3A_254 = arith.constant 2 : i32
        %shift_right_arithmetic3A_255 = vector.broadcast %shift_right_arithmetic3A_254 : i32 to vector<16xi32>
        %shift_right_arithmetic3A_256 = arith.shrsi %get3A_253, %shift_right_arithmetic3A_255 : vector<16xi32>
        %swap3A_257 = arith.index_cast %scan3A_124 : i32 to index
        %swap3A_258 = arith.constant 64 : index
        %swap3A_259 = tpu.vector_load %arg10[%swap3A_257, %swap3A_258] {strides = array<i32>} : memref<2x128xi32, #tpu.memory_space<vmem>>, vector<1x16xi32>,
        %swap3A_260 = vector.shape_cast %swap3A_259 : vector<1x16xi32> to vector<16xi32>
        %swap3A_261 = vector.shape_cast %shift_right_arithmetic3A_256 : vector<16xi32> to vector<1x16xi32>
        tpu.vector_store %arg10[%swap3A_257, %swap3A_258], %swap3A_261 {strides = array<i32>} : memref<2x128xi32, #tpu.memory_space<vmem>>, vector<1x16xi32>,
        %mul3A_262 = arith.constant 128 : i32
        %mul3A_263 = arith.muli %scan3A_124, %mul3A_262 : i32
        %add3A_264 = arith.constant 80 : i32
        %add3A_265 = arith.addi %mul3A_263, %add3A_264 : i32
        %add3A_266 = arith.addi %mul3A_33, %add3A_265 : i32
        %get3A_267 = arith.index_cast %add3A_266 : i32 to index
        %get3A_268 = tpu.vector_load %arg7[%get3A_267] {strides = array<i32>} : memref<512xi32, #tpu.memory_space<vmem>>, vector<16xi32>,
        %get3A_269 = vector.shape_cast %get3A_268 : vector<16xi32> to vector<16xi32>
        %shift_right_arithmetic3A_270 = arith.constant 2 : i32
        %shift_right_arithmetic3A_271 = vector.broadcast %shift_right_arithmetic3A_270 : i32 to vector<16xi32>
        %shift_right_arithmetic3A_272 = arith.shrsi %get3A_269, %shift_right_arithmetic3A_271 : vector<16xi32>
        %swap3A_273 = arith.index_cast %scan3A_124 : i32 to index
        %swap3A_274 = arith.constant 80 : index
        %swap3A_275 = tpu.vector_load %arg9[%swap3A_273, %swap3A_274] {strides = array<i32>} : memref<2x128xi32, #tpu.memory_space<vmem>>, vector<1x16xi32>,
        %swap3A_276 = vector.shape_cast %swap3A_275 : vector<1x16xi32> to vector<16xi32>
        %swap3A_277 = vector.shape_cast %shift_right_arithmetic3A_272 : vector<16xi32> to vector<1x16xi32>
        tpu.vector_store %arg9[%swap3A_273, %swap3A_274], %swap3A_277 {strides = array<i32>} : memref<2x128xi32, #tpu.memory_space<vmem>>, vector<1x16xi32>,
        %add3A_278 = arith.addi %mul3A_33, %add3A_265 : i32
        %get3A_279 = arith.index_cast %add3A_278 : i32 to index
        %get3A_280 = tpu.vector_load %arg8[%get3A_279] {strides = array<i32>} : memref<512xi32, #tpu.memory_space<vmem>>, vector<16xi32>,
        %get3A_281 = vector.shape_cast %get3A_280 : vector<16xi32> to vector<16xi32>
        %shift_right_arithmetic3A_282 = arith.constant 2 : i32
        %shift_right_arithmetic3A_283 = vector.broadcast %shift_right_arithmetic3A_282 : i32 to vector<16xi32>
        %shift_right_arithmetic3A_284 = arith.shrsi %get3A_281, %shift_right_arithmetic3A_283 : vector<16xi32>
        %swap3A_285 = arith.index_cast %scan3A_124 : i32 to index
        %swap3A_286 = arith.constant 80 : index
        %swap3A_287 = tpu.vector_load %arg10[%swap3A_285, %swap3A_286] {strides = array<i32>} : memref<2x128xi32, #tpu.memory_space<vmem>>, vector<1x16xi32>,
        %swap3A_288 = vector.shape_cast %swap3A_287 : vector<1x16xi32> to vector<16xi32>
        %swap3A_289 = vector.shape_cast %shift_right_arithmetic3A_284 : vector<16xi32> to vector<1x16xi32>
        tpu.vector_store %arg10[%swap3A_285, %swap3A_286], %swap3A_289 {strides = array<i32>} : memref<2x128xi32, #tpu.memory_space<vmem>>, vector<1x16xi32>,
        %mul3A_290 = arith.constant 128 : i32
        %mul3A_291 = arith.muli %scan3A_124, %mul3A_290 : i32
        %add3A_292 = arith.constant 96 : i32
        %add3A_293 = arith.addi %mul3A_291, %add3A_292 : i32
        %add3A_294 = arith.addi %mul3A_33, %add3A_293 : i32
        %get3A_295 = arith.index_cast %add3A_294 : i32 to index
        %get3A_296 = tpu.vector_load %arg7[%get3A_295] {strides = array<i32>} : memref<512xi32, #tpu.memory_space<vmem>>, vector<16xi32>,
        %get3A_297 = vector.shape_cast %get3A_296 : vector<16xi32> to vector<16xi32>
        %shift_right_arithmetic3A_298 = arith.constant 2 : i32
        %shift_right_arithmetic3A_299 = vector.broadcast %shift_right_arithmetic3A_298 : i32 to vector<16xi32>
        %shift_right_arithmetic3A_300 = arith.shrsi %get3A_297, %shift_right_arithmetic3A_299 : vector<16xi32>
        %swap3A_301 = arith.index_cast %scan3A_124 : i32 to index
        %swap3A_302 = arith.constant 96 : index
        %swap3A_303 = tpu.vector_load %arg9[%swap3A_301, %swap3A_302] {strides = array<i32>} : memref<2x128xi32, #tpu.memory_space<vmem>>, vector<1x16xi32>,
        %swap3A_304 = vector.shape_cast %swap3A_303 : vector<1x16xi32> to vector<16xi32>
        %swap3A_305 = vector.shape_cast %shift_right_arithmetic3A_300 : vector<16xi32> to vector<1x16xi32>
        tpu.vector_store %arg9[%swap3A_301, %swap3A_302], %swap3A_305 {strides = array<i32>} : memref<2x128xi32, #tpu.memory_space<vmem>>, vector<1x16xi32>,
        %add3A_306 = arith.addi %mul3A_33, %add3A_293 : i32
        %get3A_307 = arith.index_cast %add3A_306 : i32 to index
        %get3A_308 = tpu.vector_load %arg8[%get3A_307] {strides = array<i32>} : memref<512xi32, #tpu.memory_space<vmem>>, vector<16xi32>,
        %get3A_309 = vector.shape_cast %get3A_308 : vector<16xi32> to vector<16xi32>
        %shift_right_arithmetic3A_310 = arith.constant 2 : i32
        %shift_right_arithmetic3A_311 = vector.broadcast %shift_right_arithmetic3A_310 : i32 to vector<16xi32>
        %shift_right_arithmetic3A_312 = arith.shrsi %get3A_309, %shift_right_arithmetic3A_311 : vector<16xi32>
        %swap3A_313 = arith.index_cast %scan3A_124 : i32 to index
        %swap3A_314 = arith.constant 96 : index
        %swap3A_315 = tpu.vector_load %arg10[%swap3A_313, %swap3A_314] {strides = array<i32>} : memref<2x128xi32, #tpu.memory_space<vmem>>, vector<1x16xi32>,
        %swap3A_316 = vector.shape_cast %swap3A_315 : vector<1x16xi32> to vector<16xi32>
        %swap3A_317 = vector.shape_cast %shift_right_arithmetic3A_312 : vector<16xi32> to vector<1x16xi32>
        tpu.vector_store %arg10[%swap3A_313, %swap3A_314], %swap3A_317 {strides = array<i32>} : memref<2x128xi32, #tpu.memory_space<vmem>>, vector<1x16xi32>,
        %mul3A_318 = arith.constant 128 : i32
        %mul3A_319 = arith.muli %scan3A_124, %mul3A_318 : i32
        %add3A_320 = arith.constant 112 : i32
        %add3A_321 = arith.addi %mul3A_319, %add3A_320 : i32
        %add3A_322 = arith.addi %mul3A_33, %add3A_321 : i32
        %get3A_323 = arith.index_cast %add3A_322 : i32 to index
        %get3A_324 = tpu.vector_load %arg7[%get3A_323] {strides = array<i32>} : memref<512xi32, #tpu.memory_space<vmem>>, vector<16xi32>,
        %get3A_325 = vector.shape_cast %get3A_324 : vector<16xi32> to vector<16xi32>
        %shift_right_arithmetic3A_326 = arith.constant 2 : i32
        %shift_right_arithmetic3A_327 = vector.broadcast %shift_right_arithmetic3A_326 : i32 to vector<16xi32>
        %shift_right_arithmetic3A_328 = arith.shrsi %get3A_325, %shift_right_arithmetic3A_327 : vector<16xi32>
        %swap3A_329 = arith.index_cast %scan3A_124 : i32 to index
        %swap3A_330 = arith.constant 112 : index
        %swap3A_331 = tpu.vector_load %arg9[%swap3A_329, %swap3A_330] {strides = array<i32>} : memref<2x128xi32, #tpu.memory_space<vmem>>, vector<1x16xi32>,
        %swap3A_332 = vector.shape_cast %swap3A_331 : vector<1x16xi32> to vector<16xi32>
        %swap3A_333 = vector.shape_cast %shift_right_arithmetic3A_328 : vector<16xi32> to vector<1x16xi32>
        tpu.vector_store %arg9[%swap3A_329, %swap3A_330], %swap3A_333 {strides = array<i32>} : memref<2x128xi32, #tpu.memory_space<vmem>>, vector<1x16xi32>,
        %add3A_334 = arith.addi %mul3A_33, %add3A_321 : i32
        %get3A_335 = arith.index_cast %add3A_334 : i32 to index
        %get3A_336 = tpu.vector_load %arg8[%get3A_335] {strides = array<i32>} : memref<512xi32, #tpu.memory_space<vmem>>, vector<16xi32>,
        %get3A_337 = vector.shape_cast %get3A_336 : vector<16xi32> to vector<16xi32>
        %shift_right_arithmetic3A_338 = arith.constant 2 : i32
        %shift_right_arithmetic3A_339 = vector.broadcast %shift_right_arithmetic3A_338 : i32 to vector<16xi32>
        %shift_right_arithmetic3A_340 = arith.shrsi %get3A_337, %shift_right_arithmetic3A_339 : vector<16xi32>
        %swap3A_341 = arith.index_cast %scan3A_124 : i32 to index
        %swap3A_342 = arith.constant 112 : index
        %swap3A_343 = tpu.vector_load %arg10[%swap3A_341, %swap3A_342] {strides = array<i32>} : memref<2x128xi32, #tpu.memory_space<vmem>>, vector<1x16xi32>,
        %swap3A_344 = vector.shape_cast %swap3A_343 : vector<1x16xi32> to vector<16xi32>
        %swap3A_345 = vector.shape_cast %shift_right_arithmetic3A_340 : vector<16xi32> to vector<1x16xi32>
        tpu.vector_store %arg10[%swap3A_341, %swap3A_342], %swap3A_345 {strides = array<i32>} : memref<2x128xi32, #tpu.memory_space<vmem>>, vector<1x16xi32>,
      }
      %scan3A_39 = arith.constant 2 : i32
      %dma_start3A = arith.constant 0 : i32
      %dma_start3A_40 = arith.constant 0 : i32
      %dma_start3A_41 = arith.constant 0 : i32
      %dma_start3A_42 = tpu.memref_slice %arg11[%dma_start3A_40, %dma_start3A_41] : memref<256x128xf32, #tpu.memory_space<vmem>> -> memref<128x128xf32, #tpu.memory_space<vmem>>
      %dma_start3A_43 = arith.constant 0 : i32
      %dma_start3A_44 = tpu.memref_slice %arg9[%dma_start3A, %dma_start3A_43] : memref<2x128xi32, #tpu.memory_space<vmem>> -> memref<1x128xi32, #tpu.memory_space<vmem>>
      %dma_start3A_45 = tpu.memref_squeeze %dma_start3A_44 : memref<1x128xi32, #tpu.memory_space<vmem>> -> memref<128xi32, #tpu.memory_space<vmem>>
      %dma_start3A_46 = arith.constant 0 : i32
      %dma_start3A_47 = arith.constant 0 : i32
      %dma_start3A_48 = tpu.memref_slice %arg4[%dma_start3A_46, %dma_start3A_47] : memref<250000x128xf32, #tpu.memory_space<hbm>> -> memref<250000x128xf32, #tpu.memory_space<hbm>>
      tpu.enqueue_indirect_dma source(%dma_start3A_48 : memref<250000x128xf32, #tpu.memory_space<hbm>>) target(%dma_start3A_42 : memref<128x128xf32, #tpu.memory_space<vmem>>) offsets(%dma_start3A_45 : memref<128xi32, #tpu.memory_space<vmem>>) semaphore(%arg14 : memref<!tpu.dma_semaphore, #tpu.memory_space<semaphore_mem>>)
      %dma_start3A_49 = arith.constant 0 : i32
      %dma_start3A_50 = arith.constant 0 : i32
      %dma_start3A_51 = arith.constant 0 : i32
      %dma_start3A_52 = tpu.memref_slice %arg12[%dma_start3A_50, %dma_start3A_51] : memref<256x128xf32, #tpu.memory_space<vmem>> -> memref<128x128xf32, #tpu.memory_space<vmem>>
      %dma_start3A_53 = arith.constant 0 : i32
      %dma_start3A_54 = tpu.memref_slice %arg10[%dma_start3A_49, %dma_start3A_53] : memref<2x128xi32, #tpu.memory_space<vmem>> -> memref<1x128xi32, #tpu.memory_space<vmem>>
      %dma_start3A_55 = tpu.memref_squeeze %dma_start3A_54 : memref<1x128xi32, #tpu.memory_space<vmem>> -> memref<128xi32, #tpu.memory_space<vmem>>
      %dma_start3A_56 = arith.constant 0 : i32
      %dma_start3A_57 = arith.constant 0 : i32
      %dma_start3A_58 = tpu.memref_slice %arg5[%dma_start3A_56, %dma_start3A_57] : memref<250000x128xf32, #tpu.memory_space<hbm>> -> memref<250000x128xf32, #tpu.memory_space<hbm>>
      tpu.enqueue_indirect_dma source(%dma_start3A_58 : memref<250000x128xf32, #tpu.memory_space<hbm>>) target(%dma_start3A_52 : memref<128x128xf32, #tpu.memory_space<vmem>>) offsets(%dma_start3A_55 : memref<128xi32, #tpu.memory_space<vmem>>) semaphore(%arg15 : memref<!tpu.dma_semaphore, #tpu.memory_space<semaphore_mem>>)
      %dma_start3A_59 = arith.constant 1 : i32
      %dma_start3A_60 = arith.constant 128 : i32
      %dma_start3A_61 = arith.constant 0 : i32
      %dma_start3A_62 = tpu.memref_slice %arg11[%dma_start3A_60, %dma_start3A_61] : memref<256x128xf32, #tpu.memory_space<vmem>> -> memref<128x128xf32, #tpu.memory_space<vmem>>
      %dma_start3A_63 = arith.constant 0 : i32
      %dma_start3A_64 = tpu.memref_slice %arg9[%dma_start3A_59, %dma_start3A_63] : memref<2x128xi32, #tpu.memory_space<vmem>> -> memref<1x128xi32, #tpu.memory_space<vmem>>
      %dma_start3A_65 = tpu.memref_squeeze %dma_start3A_64 : memref<1x128xi32, #tpu.memory_space<vmem>> -> memref<128xi32, #tpu.memory_space<vmem>>
      %dma_start3A_66 = arith.constant 0 : i32
      %dma_start3A_67 = arith.constant 0 : i32
      %dma_start3A_68 = tpu.memref_slice %arg4[%dma_start3A_66, %dma_start3A_67] : memref<250000x128xf32, #tpu.memory_space<hbm>> -> memref<250000x128xf32, #tpu.memory_space<hbm>>
      tpu.enqueue_indirect_dma source(%dma_start3A_68 : memref<250000x128xf32, #tpu.memory_space<hbm>>) target(%dma_start3A_62 : memref<128x128xf32, #tpu.memory_space<vmem>>) offsets(%dma_start3A_65 : memref<128xi32, #tpu.memory_space<vmem>>) semaphore(%arg14 : memref<!tpu.dma_semaphore, #tpu.memory_space<semaphore_mem>>)
      %dma_start3A_69 = arith.constant 1 : i32
      %dma_start3A_70 = arith.constant 128 : i32
      %dma_start3A_71 = arith.constant 0 : i32
      %dma_start3A_72 = tpu.memref_slice %arg12[%dma_start3A_70, %dma_start3A_71] : memref<256x128xf32, #tpu.memory_space<vmem>> -> memref<128x128xf32, #tpu.memory_space<vmem>>
      %dma_start3A_73 = arith.constant 0 : i32
      %dma_start3A_74 = tpu.memref_slice %arg10[%dma_start3A_69, %dma_start3A_73] : memref<2x128xi32, #tpu.memory_space<vmem>> -> memref<1x128xi32, #tpu.memory_space<vmem>>
      %dma_start3A_75 = tpu.memref_squeeze %dma_start3A_74 : memref<1x128xi32, #tpu.memory_space<vmem>> -> memref<128xi32, #tpu.memory_space<vmem>>
      %dma_start3A_76 = arith.constant 0 : i32
      %dma_start3A_77 = arith.constant 0 : i32
      %dma_start3A_78 = tpu.memref_slice %arg5[%dma_start3A_76, %dma_start3A_77] : memref<250000x128xf32, #tpu.memory_space<hbm>> -> memref<250000x128xf32, #tpu.memory_space<hbm>>
      tpu.enqueue_indirect_dma source(%dma_start3A_78 : memref<250000x128xf32, #tpu.memory_space<hbm>>) target(%dma_start3A_72 : memref<128x128xf32, #tpu.memory_space<vmem>>) offsets(%dma_start3A_75 : memref<128xi32, #tpu.memory_space<vmem>>) semaphore(%arg15 : memref<!tpu.dma_semaphore, #tpu.memory_space<semaphore_mem>>)
      %dma_wait3A = arith.constant 0 : i32
      %dma_wait3A_79 = arith.constant 0 : i32
      %dma_wait3A_80 = arith.constant 0 : i32
      %dma_wait3A_81 = tpu.memref_slice %arg11[%dma_wait3A_79, %dma_wait3A_80] : memref<256x128xf32, #tpu.memory_space<vmem>> -> memref<128x128xf32, #tpu.memory_space<vmem>>
      %dma_wait3A_82 = arith.constant 0 : i32
      %dma_wait3A_83 = tpu.memref_slice %arg9[%dma_wait3A, %dma_wait3A_82] : memref<2x128xi32, #tpu.memory_space<vmem>> -> memref<1x128xi32, #tpu.memory_space<vmem>>
      %dma_wait3A_84 = tpu.memref_squeeze %dma_wait3A_83 : memref<1x128xi32, #tpu.memory_space<vmem>> -> memref<128xi32, #tpu.memory_space<vmem>>
      %dma_wait3A_85 = arith.constant 0 : i32
      %dma_wait3A_86 = arith.constant 0 : i32
      %dma_wait3A_87 = tpu.memref_slice %arg4[%dma_wait3A_85, %dma_wait3A_86] : memref<250000x128xf32, #tpu.memory_space<hbm>> -> memref<250000x128xf32, #tpu.memory_space<hbm>>
      tpu.wait_indirect_dma semaphore(%arg14 : memref<!tpu.dma_semaphore, #tpu.memory_space<semaphore_mem>>) src(%dma_wait3A_87 : memref<250000x128xf32, #tpu.memory_space<hbm>>) dst(%dma_wait3A_81 : memref<128x128xf32, #tpu.memory_space<vmem>>)
      %dma_wait3A_88 = arith.constant 0 : i32
      %dma_wait3A_89 = arith.constant 0 : i32
      %dma_wait3A_90 = arith.constant 0 : i32
      %dma_wait3A_91 = tpu.memref_slice %arg12[%dma_wait3A_89, %dma_wait3A_90] : memref<256x128xf32, #tpu.memory_space<vmem>> -> memref<128x128xf32, #tpu.memory_space<vmem>>
      %dma_wait3A_92 = arith.constant 0 : i32
      %dma_wait3A_93 = tpu.memref_slice %arg10[%dma_wait3A_88, %dma_wait3A_92] : memref<2x128xi32, #tpu.memory_space<vmem>> -> memref<1x128xi32, #tpu.memory_space<vmem>>
      %dma_wait3A_94 = tpu.memref_squeeze %dma_wait3A_93 : memref<1x128xi32, #tpu.memory_space<vmem>> -> memref<128xi32, #tpu.memory_space<vmem>>
      %dma_wait3A_95 = arith.constant 0 : i32
      %dma_wait3A_96 = arith.constant 0 : i32
      %dma_wait3A_97 = tpu.memref_slice %arg5[%dma_wait3A_95, %dma_wait3A_96] : memref<250000x128xf32, #tpu.memory_space<hbm>> -> memref<250000x128xf32, #tpu.memory_space<hbm>>
      tpu.wait_indirect_dma semaphore(%arg15 : memref<!tpu.dma_semaphore, #tpu.memory_space<semaphore_mem>>) src(%dma_wait3A_97 : memref<250000x128xf32, #tpu.memory_space<hbm>>) dst(%dma_wait3A_91 : memref<128x128xf32, #tpu.memory_space<vmem>>)
      %dma_wait3A_98 = arith.constant 1 : i32
      %dma_wait3A_99 = arith.constant 128 : i32
      %dma_wait3A_100 = arith.constant 0 : i32
      %dma_wait3A_101 = tpu.memref_slice %arg11[%dma_wait3A_99, %dma_wait3A_100] : memref<256x128xf32, #tpu.memory_space<vmem>> -> memref<128x128xf32, #tpu.memory_space<vmem>>
      %dma_wait3A_102 = arith.constant 0 : i32
      %dma_wait3A_103 = tpu.memref_slice %arg9[%dma_wait3A_98, %dma_wait3A_102] : memref<2x128xi32, #tpu.memory_space<vmem>> -> memref<1x128xi32, #tpu.memory_space<vmem>>
      %dma_wait3A_104 = tpu.memref_squeeze %dma_wait3A_103 : memref<1x128xi32, #tpu.memory_space<vmem>> -> memref<128xi32, #tpu.memory_space<vmem>>
      %dma_wait3A_105 = arith.constant 0 : i32
      %dma_wait3A_106 = arith.constant 0 : i32
      %dma_wait3A_107 = tpu.memref_slice %arg4[%dma_wait3A_105, %dma_wait3A_106] : memref<250000x128xf32, #tpu.memory_space<hbm>> -> memref<250000x128xf32, #tpu.memory_space<hbm>>
      tpu.wait_indirect_dma semaphore(%arg14 : memref<!tpu.dma_semaphore, #tpu.memory_space<semaphore_mem>>) src(%dma_wait3A_107 : memref<250000x128xf32, #tpu.memory_space<hbm>>) dst(%dma_wait3A_101 : memref<128x128xf32, #tpu.memory_space<vmem>>)
      %dma_wait3A_108 = arith.constant 1 : i32
      %dma_wait3A_109 = arith.constant 128 : i32
      %dma_wait3A_110 = arith.constant 0 : i32
      %dma_wait3A_111 = tpu.memref_slice %arg12[%dma_wait3A_109, %dma_wait3A_110] : memref<256x128xf32, #tpu.memory_space<vmem>> -> memref<128x128xf32, #tpu.memory_space<vmem>>
      %dma_wait3A_112 = arith.constant 0 : i32
      %dma_wait3A_113 = tpu.memref_slice %arg10[%dma_wait3A_108, %dma_wait3A_112] : memref<2x128xi32, #tpu.memory_space<vmem>> -> memref<1x128xi32, #tpu.memory_space<vmem>>
      %dma_wait3A_114 = tpu.memref_squeeze %dma_wait3A_113 : memref<1x128xi32, #tpu.memory_space<vmem>> -> memref<128xi32, #tpu.memory_space<vmem>>
      %dma_wait3A_115 = arith.constant 0 : i32
      %dma_wait3A_116 = arith.constant 0 : i32
      %dma_wait3A_117 = tpu.memref_slice %arg5[%dma_wait3A_115, %dma_wait3A_116] : memref<250000x128xf32, #tpu.memory_space<hbm>> -> memref<250000x128xf32, #tpu.memory_space<hbm>>
      tpu.wait_indirect_dma semaphore(%arg15 : memref<!tpu.dma_semaphore, #tpu.memory_space<semaphore_mem>>) src(%dma_wait3A_117 : memref<250000x128xf32, #tpu.memory_space<hbm>>) dst(%dma_wait3A_111 : memref<128x128xf32, #tpu.memory_space<vmem>>)
      %scan3A_118 = arith.constant 0 : i32
      %scan3A_119 = arith.constant 0 : i32
      %scan3A_120 = arith.constant 16 : i32
      %scan3A_121 = arith.addi %scan3A_119, %scan3A_120 : i32
      %scan3A_122 = arith.constant 1 : i32
      scf.for %scan3A_124 = %scan3A_119 to %scan3A_121 step %scan3A_122  : i32 {
        %mul3A_125 = arith.constant 16 : i32
        %mul3A_126 = arith.muli %scan3A_124, %mul3A_125 : i32
        %add3A_127 = arith.addi %mul3A_33, %mul3A_126 : i32
        %get3A = arith.index_cast %add3A_127 : i32 to index
        %get3A_128 = tpu.vector_load %arg7[%get3A] {strides = array<i32>} : memref<512xi32, #tpu.memory_space<vmem>>, vector<16xi32>,
        %get3A_129 = vector.shape_cast %get3A_128 : vector<16xi32> to vector<16xi32>
        %add3A_130 = arith.addi %mul3A_33, %mul3A_126 : i32
        %get3A_131 = arith.index_cast %add3A_130 : i32 to index
        %get3A_132 = tpu.vector_load %arg8[%get3A_131] {strides = array<i32>} : memref<512xi32, #tpu.memory_space<vmem>>, vector<16xi32>,
        %get3A_133 = vector.shape_cast %get3A_132 : vector<16xi32> to vector<16xi32>
        %and3A_134 = arith.constant 3 : i32
        %and3A_135 = vector.broadcast %and3A_134 : i32 to vector<16xi32>
        %and3A_136 = arith.andi %get3A_129, %and3A_135 : vector<16xi32>
        %mul3A_137 = arith.constant 32 : i32
        %mul3A_138 = vector.broadcast %mul3A_137 : i32 to vector<16xi32>
        %mul3A_139 = arith.muli %and3A_136, %mul3A_138 : vector<16xi32>
        %and3A_140 = arith.constant 3 : i32
        %and3A_141 = vector.broadcast %and3A_140 : i32 to vector<16xi32>
        %and3A_142 = arith.andi %get3A_133, %and3A_141 : vector<16xi32>
        %mul3A_143 = arith.constant 32 : i32
        %mul3A_144 = vector.broadcast %mul3A_143 : i32 to vector<16xi32>
        %mul3A_145 = arith.muli %and3A_142, %mul3A_144 : vector<16xi32>
        %broadcast_in_dim3A = arith.constant 0.000000e+00 : f32
        %broadcast_in_dim3A_146 = vector.broadcast %broadcast_in_dim3A : f32 to vector<16xf32>
        %add3A_147 = arith.constant 0 : i32
        %add3A_148 = arith.addi %mul3A_126, %add3A_147 : i32
        %slice3A = vector.extract_strided_slice %mul3A_139 {offsets = [0], sizes = [1], strides = [1]} : vector<16xi32> to vector<1xi32>
        %squeeze3A = vector.extract %slice3A[0] : i32 from vector<1xi32>
        %slice3A_149 = vector.extract_strided_slice %mul3A_145 {offsets = [0], sizes = [1], strides = [1]} : vector<16xi32> to vector<1xi32>
        %squeeze3A_150 = vector.extract %slice3A_149[0] : i32 from vector<1xi32>
        %get3A_151 = arith.index_cast %add3A_148 : i32 to index
        %get3A_152 = arith.index_cast %squeeze3A : i32 to index
        %get3A_153 = tpu.vector_load %arg11[%get3A_151, %get3A_152] {strides = array<i32>} : memref<256x128xf32, #tpu.memory_space<vmem>>, vector<1x16xf32>,
        %get3A_154 = vector.shape_cast %get3A_153 : vector<1x16xf32> to vector<16xf32>
        %add3A_155 = arith.constant 16 : i32
        %add3A_156 = arith.addi %squeeze3A, %add3A_155 : i32
        %get3A_157 = arith.index_cast %add3A_148 : i32 to index
        %get3A_158 = arith.index_cast %add3A_156 : i32 to index
        %get3A_159 = tpu.vector_load %arg11[%get3A_157, %get3A_158] {strides = array<i32>} : memref<256x128xf32, #tpu.memory_space<vmem>>, vector<1x16xf32>,
        %get3A_160 = vector.shape_cast %get3A_159 : vector<1x16xf32> to vector<16xf32>
        %get3A_161 = arith.index_cast %add3A_148 : i32 to index
        %get3A_162 = arith.index_cast %squeeze3A_150 : i32 to index
        %get3A_163 = tpu.vector_load %arg12[%get3A_161, %get3A_162] {strides = array<i32>} : memref<256x128xf32, #tpu.memory_space<vmem>>, vector<1x16xf32>,
        %get3A_164 = vector.shape_cast %get3A_163 : vector<1x16xf32> to vector<16xf32>
        %add3A_165 = arith.constant 16 : i32
        %add3A_166 = arith.addi %squeeze3A_150, %add3A_165 : i32
        %get3A_167 = arith.index_cast %add3A_148 : i32 to index
        %get3A_168 = arith.index_cast %add3A_166 : i32 to index
        %get3A_169 = tpu.vector_load %arg12[%get3A_167, %get3A_168] {strides = array<i32>} : memref<256x128xf32, #tpu.memory_space<vmem>>, vector<1x16xf32>,
        %get3A_170 = vector.shape_cast %get3A_169 : vector<1x16xf32> to vector<16xf32>
        %mul3A_171 = arith.mulf %get3A_154, %get3A_164 : vector<16xf32>
        %mul3A_172 = arith.mulf %get3A_160, %get3A_170 : vector<16xf32>
        %add3A_173 = arith.addf %mul3A_171, %mul3A_172 : vector<16xf32>
        %broadcast_in_dim3A_174 = vector.shape_cast %and3A_7 : vector<16xi32> to vector<16x1xi32>
        %gather3A = vector.shape_cast %broadcast_in_dim3A_174 : vector<16x1xi32> to vector<16xi32>
        %gather3A_175 = tpu.dynamic_gather %add3A_173[%gather3A] in [0] : vector<16xf32>, vector<16xi32> -> vector<16xf32>
        %add3A_176 = arith.addf %add3A_173, %gather3A_175 : vector<16xf32>
        %broadcast_in_dim3A_177 = vector.shape_cast %and3A_13 : vector<16xi32> to vector<16x1xi32>
        %gather3A_178 = vector.shape_cast %broadcast_in_dim3A_177 : vector<16x1xi32> to vector<16xi32>
        %gather3A_179 = tpu.dynamic_gather %add3A_176[%gather3A_178] in [0] : vector<16xf32>, vector<16xi32> -> vector<16xf32>
        %add3A_180 = arith.addf %add3A_176, %gather3A_179 : vector<16xf32>
        %broadcast_in_dim3A_181 = vector.shape_cast %and3A_19 : vector<16xi32> to vector<16x1xi32>
        %gather3A_182 = vector.shape_cast %broadcast_in_dim3A_181 : vector<16x1xi32> to vector<16xi32>
        %gather3A_183 = tpu.dynamic_gather %add3A_180[%gather3A_182] in [0] : vector<16xf32>, vector<16xi32> -> vector<16xf32>
        %add3A_184 = arith.addf %add3A_180, %gather3A_183 : vector<16xf32>
        %broadcast_in_dim3A_185 = vector.shape_cast %and3A_25 : vector<16xi32> to vector<16x1xi32>
        %gather3A_186 = vector.shape_cast %broadcast_in_dim3A_185 : vector<16x1xi32> to vector<16xi32>
        %gather3A_187 = tpu.dynamic_gather %add3A_184[%gather3A_186] in [0] : vector<16xf32>, vector<16xi32> -> vector<16xf32>
        %add3A_188 = arith.addf %add3A_184, %gather3A_187 : vector<16xf32>
        %eq3A = arith.constant 0 : i32
        %eq3A_189 = vector.broadcast %eq3A : i32 to vector<16xi32>
        %eq3A_190 = arith.cmpi eq, %iota3A, %eq3A_189 : vector<16xi32>
        %select_n3A = arith.select %eq3A_190, %add3A_188, %broadcast_in_dim3A_146 : vector<16xi1>, vector<16xf32>
        %add3A_191 = arith.constant 1 : i32
        %add3A_192 = arith.addi %mul3A_126, %add3A_191 : i32
        %slice3A_193 = vector.extract_strided_slice %mul3A_139 {offsets = [1], sizes = [1], strides = [1]} : vector<16xi32> to vector<1xi32>
        %squeeze3A_194 = vector.extract %slice3A_193[0] : i32 from vector<1xi32>
        %slice3A_195 = vector.extract_strided_slice %mul3A_145 {offsets = [1], sizes = [1], strides = [1]} : vector<16xi32> to vector<1xi32>
        %squeeze3A_196 = vector.extract %slice3A_195[0] : i32 from vector<1xi32>
        %get3A_197 = arith.index_cast %add3A_192 : i32 to index
        %get3A_198 = arith.index_cast %squeeze3A_194 : i32 to index
        %get3A_199 = tpu.vector_load %arg11[%get3A_197, %get3A_198] {strides = array<i32>} : memref<256x128xf32, #tpu.memory_space<vmem>>, vector<1x16xf32>,
        %get3A_200 = vector.shape_cast %get3A_199 : vector<1x16xf32> to vector<16xf32>
        %add3A_201 = arith.constant 16 : i32
        %add3A_202 = arith.addi %squeeze3A_194, %add3A_201 : i32
        %get3A_203 = arith.index_cast %add3A_192 : i32 to index
        %get3A_204 = arith.index_cast %add3A_202 : i32 to index
        %get3A_205 = tpu.vector_load %arg11[%get3A_203, %get3A_204] {strides = array<i32>} : memref<256x128xf32, #tpu.memory_space<vmem>>, vector<1x16xf32>,
        %get3A_206 = vector.shape_cast %get3A_205 : vector<1x16xf32> to vector<16xf32>
        %get3A_207 = arith.index_cast %add3A_192 : i32 to index
        %get3A_208 = arith.index_cast %squeeze3A_196 : i32 to index
        %get3A_209 = tpu.vector_load %arg12[%get3A_207, %get3A_208] {strides = array<i32>} : memref<256x128xf32, #tpu.memory_space<vmem>>, vector<1x16xf32>,
        %get3A_210 = vector.shape_cast %get3A_209 : vector<1x16xf32> to vector<16xf32>
        %add3A_211 = arith.constant 16 : i32
        %add3A_212 = arith.addi %squeeze3A_196, %add3A_211 : i32
        %get3A_213 = arith.index_cast %add3A_192 : i32 to index
        %get3A_214 = arith.index_cast %add3A_212 : i32 to index
        %get3A_215 = tpu.vector_load %arg12[%get3A_213, %get3A_214] {strides = array<i32>} : memref<256x128xf32, #tpu.memory_space<vmem>>, vector<1x16xf32>,
        %get3A_216 = vector.shape_cast %get3A_215 : vector<1x16xf32> to vector<16xf32>
        %mul3A_217 = arith.mulf %get3A_200, %get3A_210 : vector<16xf32>
        %mul3A_218 = arith.mulf %get3A_206, %get3A_216 : vector<16xf32>
        %add3A_219 = arith.addf %mul3A_217, %mul3A_218 : vector<16xf32>
        %broadcast_in_dim3A_220 = vector.shape_cast %and3A_7 : vector<16xi32> to vector<16x1xi32>
        %gather3A_221 = vector.shape_cast %broadcast_in_dim3A_220 : vector<16x1xi32> to vector<16xi32>
        %gather3A_222 = tpu.dynamic_gather %add3A_219[%gather3A_221] in [0] : vector<16xf32>, vector<16xi32> -> vector<16xf32>
        %add3A_223 = arith.addf %add3A_219, %gather3A_222 : vector<16xf32>
        %broadcast_in_dim3A_224 = vector.shape_cast %and3A_13 : vector<16xi32> to vector<16x1xi32>
        %gather3A_225 = vector.shape_cast %broadcast_in_dim3A_224 : vector<16x1xi32> to vector<16xi32>
        %gather3A_226 = tpu.dynamic_gather %add3A_223[%gather3A_225] in [0] : vector<16xf32>, vector<16xi32> -> vector<16xf32>
        %add3A_227 = arith.addf %add3A_223, %gather3A_226 : vector<16xf32>
        %broadcast_in_dim3A_228 = vector.shape_cast %and3A_19 : vector<16xi32> to vector<16x1xi32>
        %gather3A_229 = vector.shape_cast %broadcast_in_dim3A_228 : vector<16x1xi32> to vector<16xi32>
        %gather3A_230 = tpu.dynamic_gather %add3A_227[%gather3A_229] in [0] : vector<16xf32>, vector<16xi32> -> vector<16xf32>
        %add3A_231 = arith.addf %add3A_227, %gather3A_230 : vector<16xf32>
        %broadcast_in_dim3A_232 = vector.shape_cast %and3A_25 : vector<16xi32> to vector<16x1xi32>
        %gather3A_233 = vector.shape_cast %broadcast_in_dim3A_232 : vector<16x1xi32> to vector<16xi32>
        %gather3A_234 = tpu.dynamic_gather %add3A_231[%gather3A_233] in [0] : vector<16xf32>, vector<16xi32> -> vector<16xf32>
        %add3A_235 = arith.addf %add3A_231, %gather3A_234 : vector<16xf32>
        %eq3A_236 = arith.constant 1 : i32
        %eq3A_237 = vector.broadcast %eq3A_236 : i32 to vector<16xi32>
        %eq3A_238 = arith.cmpi eq, %iota3A, %eq3A_237 : vector<16xi32>
        %select_n3A_239 = arith.select %eq3A_238, %add3A_235, %select_n3A : vector<16xi1>, vector<16xf32>
        %add3A_240 = arith.constant 2 : i32
        %add3A_241 = arith.addi %mul3A_126, %add3A_240 : i32
        %slice3A_242 = vector.extract_strided_slice %mul3A_139 {offsets = [2], sizes = [1], strides = [1]} : vector<16xi32> to vector<1xi32>
        %squeeze3A_243 = vector.extract %slice3A_242[0] : i32 from vector<1xi32>
        %slice3A_244 = vector.extract_strided_slice %mul3A_145 {offsets = [2], sizes = [1], strides = [1]} : vector<16xi32> to vector<1xi32>
        %squeeze3A_245 = vector.extract %slice3A_244[0] : i32 from vector<1xi32>
        %get3A_246 = arith.index_cast %add3A_241 : i32 to index
        %get3A_247 = arith.index_cast %squeeze3A_243 : i32 to index
        %get3A_248 = tpu.vector_load %arg11[%get3A_246, %get3A_247] {strides = array<i32>} : memref<256x128xf32, #tpu.memory_space<vmem>>, vector<1x16xf32>,
        %get3A_249 = vector.shape_cast %get3A_248 : vector<1x16xf32> to vector<16xf32>
        %add3A_250 = arith.constant 16 : i32
        %add3A_251 = arith.addi %squeeze3A_243, %add3A_250 : i32
        %get3A_252 = arith.index_cast %add3A_241 : i32 to index
        %get3A_253 = arith.index_cast %add3A_251 : i32 to index
        %get3A_254 = tpu.vector_load %arg11[%get3A_252, %get3A_253] {strides = array<i32>} : memref<256x128xf32, #tpu.memory_space<vmem>>, vector<1x16xf32>,
        %get3A_255 = vector.shape_cast %get3A_254 : vector<1x16xf32> to vector<16xf32>
        %get3A_256 = arith.index_cast %add3A_241 : i32 to index
        %get3A_257 = arith.index_cast %squeeze3A_245 : i32 to index
        %get3A_258 = tpu.vector_load %arg12[%get3A_256, %get3A_257] {strides = array<i32>} : memref<256x128xf32, #tpu.memory_space<vmem>>, vector<1x16xf32>,
        %get3A_259 = vector.shape_cast %get3A_258 : vector<1x16xf32> to vector<16xf32>
        %add3A_260 = arith.constant 16 : i32
        %add3A_261 = arith.addi %squeeze3A_245, %add3A_260 : i32
        %get3A_262 = arith.index_cast %add3A_241 : i32 to index
        %get3A_263 = arith.index_cast %add3A_261 : i32 to index
        %get3A_264 = tpu.vector_load %arg12[%get3A_262, %get3A_263] {strides = array<i32>} : memref<256x128xf32, #tpu.memory_space<vmem>>, vector<1x16xf32>,
        %get3A_265 = vector.shape_cast %get3A_264 : vector<1x16xf32> to vector<16xf32>
        %mul3A_266 = arith.mulf %get3A_249, %get3A_259 : vector<16xf32>
        %mul3A_267 = arith.mulf %get3A_255, %get3A_265 : vector<16xf32>
        %add3A_268 = arith.addf %mul3A_266, %mul3A_267 : vector<16xf32>
        %broadcast_in_dim3A_269 = vector.shape_cast %and3A_7 : vector<16xi32> to vector<16x1xi32>
        %gather3A_270 = vector.shape_cast %broadcast_in_dim3A_269 : vector<16x1xi32> to vector<16xi32>
        %gather3A_271 = tpu.dynamic_gather %add3A_268[%gather3A_270] in [0] : vector<16xf32>, vector<16xi32> -> vector<16xf32>
        %add3A_272 = arith.addf %add3A_268, %gather3A_271 : vector<16xf32>
        %broadcast_in_dim3A_273 = vector.shape_cast %and3A_13 : vector<16xi32> to vector<16x1xi32>
        %gather3A_274 = vector.shape_cast %broadcast_in_dim3A_273 : vector<16x1xi32> to vector<16xi32>
        %gather3A_275 = tpu.dynamic_gather %add3A_272[%gather3A_274] in [0] : vector<16xf32>, vector<16xi32> -> vector<16xf32>
        %add3A_276 = arith.addf %add3A_272, %gather3A_275 : vector<16xf32>
        %broadcast_in_dim3A_277 = vector.shape_cast %and3A_19 : vector<16xi32> to vector<16x1xi32>
        %gather3A_278 = vector.shape_cast %broadcast_in_dim3A_277 : vector<16x1xi32> to vector<16xi32>
        %gather3A_279 = tpu.dynamic_gather %add3A_276[%gather3A_278] in [0] : vector<16xf32>, vector<16xi32> -> vector<16xf32>
        %add3A_280 = arith.addf %add3A_276, %gather3A_279 : vector<16xf32>
        %broadcast_in_dim3A_281 = vector.shape_cast %and3A_25 : vector<16xi32> to vector<16x1xi32>
        %gather3A_282 = vector.shape_cast %broadcast_in_dim3A_281 : vector<16x1xi32> to vector<16xi32>
        %gather3A_283 = tpu.dynamic_gather %add3A_280[%gather3A_282] in [0] : vector<16xf32>, vector<16xi32> -> vector<16xf32>
        %add3A_284 = arith.addf %add3A_280, %gather3A_283 : vector<16xf32>
        %eq3A_285 = arith.constant 2 : i32
        %eq3A_286 = vector.broadcast %eq3A_285 : i32 to vector<16xi32>
        %eq3A_287 = arith.cmpi eq, %iota3A, %eq3A_286 : vector<16xi32>
        %select_n3A_288 = arith.select %eq3A_287, %add3A_284, %select_n3A_239 : vector<16xi1>, vector<16xf32>
        %add3A_289 = arith.constant 3 : i32
        %add3A_290 = arith.addi %mul3A_126, %add3A_289 : i32
        %slice3A_291 = vector.extract_strided_slice %mul3A_139 {offsets = [3], sizes = [1], strides = [1]} : vector<16xi32> to vector<1xi32>
        %squeeze3A_292 = vector.extract %slice3A_291[0] : i32 from vector<1xi32>
        %slice3A_293 = vector.extract_strided_slice %mul3A_145 {offsets = [3], sizes = [1], strides = [1]} : vector<16xi32> to vector<1xi32>
        %squeeze3A_294 = vector.extract %slice3A_293[0] : i32 from vector<1xi32>
        %get3A_295 = arith.index_cast %add3A_290 : i32 to index
        %get3A_296 = arith.index_cast %squeeze3A_292 : i32 to index
        %get3A_297 = tpu.vector_load %arg11[%get3A_295, %get3A_296] {strides = array<i32>} : memref<256x128xf32, #tpu.memory_space<vmem>>, vector<1x16xf32>,
        %get3A_298 = vector.shape_cast %get3A_297 : vector<1x16xf32> to vector<16xf32>
        %add3A_299 = arith.constant 16 : i32
        %add3A_300 = arith.addi %squeeze3A_292, %add3A_299 : i32
        %get3A_301 = arith.index_cast %add3A_290 : i32 to index
        %get3A_302 = arith.index_cast %add3A_300 : i32 to index
        %get3A_303 = tpu.vector_load %arg11[%get3A_301, %get3A_302] {strides = array<i32>} : memref<256x128xf32, #tpu.memory_space<vmem>>, vector<1x16xf32>,
        %get3A_304 = vector.shape_cast %get3A_303 : vector<1x16xf32> to vector<16xf32>
        %get3A_305 = arith.index_cast %add3A_290 : i32 to index
        %get3A_306 = arith.index_cast %squeeze3A_294 : i32 to index
        %get3A_307 = tpu.vector_load %arg12[%get3A_305, %get3A_306] {strides = array<i32>} : memref<256x128xf32, #tpu.memory_space<vmem>>, vector<1x16xf32>,
        %get3A_308 = vector.shape_cast %get3A_307 : vector<1x16xf32> to vector<16xf32>
        %add3A_309 = arith.constant 16 : i32
        %add3A_310 = arith.addi %squeeze3A_294, %add3A_309 : i32
        %get3A_311 = arith.index_cast %add3A_290 : i32 to index
        %get3A_312 = arith.index_cast %add3A_310 : i32 to index
        %get3A_313 = tpu.vector_load %arg12[%get3A_311, %get3A_312] {strides = array<i32>} : memref<256x128xf32, #tpu.memory_space<vmem>>, vector<1x16xf32>,
        %get3A_314 = vector.shape_cast %get3A_313 : vector<1x16xf32> to vector<16xf32>
        %mul3A_315 = arith.mulf %get3A_298, %get3A_308 : vector<16xf32>
        %mul3A_316 = arith.mulf %get3A_304, %get3A_314 : vector<16xf32>
        %add3A_317 = arith.addf %mul3A_315, %mul3A_316 : vector<16xf32>
        %broadcast_in_dim3A_318 = vector.shape_cast %and3A_7 : vector<16xi32> to vector<16x1xi32>
        %gather3A_319 = vector.shape_cast %broadcast_in_dim3A_318 : vector<16x1xi32> to vector<16xi32>
        %gather3A_320 = tpu.dynamic_gather %add3A_317[%gather3A_319] in [0] : vector<16xf32>, vector<16xi32> -> vector<16xf32>
        %add3A_321 = arith.addf %add3A_317, %gather3A_320 : vector<16xf32>
        %broadcast_in_dim3A_322 = vector.shape_cast %and3A_13 : vector<16xi32> to vector<16x1xi32>
        %gather3A_323 = vector.shape_cast %broadcast_in_dim3A_322 : vector<16x1xi32> to vector<16xi32>
        %gather3A_324 = tpu.dynamic_gather %add3A_321[%gather3A_323] in [0] : vector<16xf32>, vector<16xi32> -> vector<16xf32>
        %add3A_325 = arith.addf %add3A_321, %gather3A_324 : vector<16xf32>
        %broadcast_in_dim3A_326 = vector.shape_cast %and3A_19 : vector<16xi32> to vector<16x1xi32>
        %gather3A_327 = vector.shape_cast %broadcast_in_dim3A_326 : vector<16x1xi32> to vector<16xi32>
        %gather3A_328 = tpu.dynamic_gather %add3A_325[%gather3A_327] in [0] : vector<16xf32>, vector<16xi32> -> vector<16xf32>
        %add3A_329 = arith.addf %add3A_325, %gather3A_328 : vector<16xf32>
        %broadcast_in_dim3A_330 = vector.shape_cast %and3A_25 : vector<16xi32> to vector<16x1xi32>
        %gather3A_331 = vector.shape_cast %broadcast_in_dim3A_330 : vector<16x1xi32> to vector<16xi32>
        %gather3A_332 = tpu.dynamic_gather %add3A_329[%gather3A_331] in [0] : vector<16xf32>, vector<16xi32> -> vector<16xf32>
        %add3A_333 = arith.addf %add3A_329, %gather3A_332 : vector<16xf32>
        %eq3A_334 = arith.constant 3 : i32
        %eq3A_335 = vector.broadcast %eq3A_334 : i32 to vector<16xi32>
        %eq3A_336 = arith.cmpi eq, %iota3A, %eq3A_335 : vector<16xi32>
        %select_n3A_337 = arith.select %eq3A_336, %add3A_333, %select_n3A_288 : vector<16xi1>, vector<16xf32>
        %add3A_338 = arith.constant 4 : i32
        %add3A_339 = arith.addi %mul3A_126, %add3A_338 : i32
        %slice3A_340 = vector.extract_strided_slice %mul3A_139 {offsets = [4], sizes = [1], strides = [1]} : vector<16xi32> to vector<1xi32>
        %squeeze3A_341 = vector.extract %slice3A_340[0] : i32 from vector<1xi32>
        %slice3A_342 = vector.extract_strided_slice %mul3A_145 {offsets = [4], sizes = [1], strides = [1]} : vector<16xi32> to vector<1xi32>
        %squeeze3A_343 = vector.extract %slice3A_342[0] : i32 from vector<1xi32>
        %get3A_344 = arith.index_cast %add3A_339 : i32 to index
        %get3A_345 = arith.index_cast %squeeze3A_341 : i32 to index
        %get3A_346 = tpu.vector_load %arg11[%get3A_344, %get3A_345] {strides = array<i32>} : memref<256x128xf32, #tpu.memory_space<vmem>>, vector<1x16xf32>,
        %get3A_347 = vector.shape_cast %get3A_346 : vector<1x16xf32> to vector<16xf32>
        %add3A_348 = arith.constant 16 : i32
        %add3A_349 = arith.addi %squeeze3A_341, %add3A_348 : i32
        %get3A_350 = arith.index_cast %add3A_339 : i32 to index
        %get3A_351 = arith.index_cast %add3A_349 : i32 to index
        %get3A_352 = tpu.vector_load %arg11[%get3A_350, %get3A_351] {strides = array<i32>} : memref<256x128xf32, #tpu.memory_space<vmem>>, vector<1x16xf32>,
        %get3A_353 = vector.shape_cast %get3A_352 : vector<1x16xf32> to vector<16xf32>
        %get3A_354 = arith.index_cast %add3A_339 : i32 to index
        %get3A_355 = arith.index_cast %squeeze3A_343 : i32 to index
        %get3A_356 = tpu.vector_load %arg12[%get3A_354, %get3A_355] {strides = array<i32>} : memref<256x128xf32, #tpu.memory_space<vmem>>, vector<1x16xf32>,
        %get3A_357 = vector.shape_cast %get3A_356 : vector<1x16xf32> to vector<16xf32>
        %add3A_358 = arith.constant 16 : i32
        %add3A_359 = arith.addi %squeeze3A_343, %add3A_358 : i32
        %get3A_360 = arith.index_cast %add3A_339 : i32 to index
        %get3A_361 = arith.index_cast %add3A_359 : i32 to index
        %get3A_362 = tpu.vector_load %arg12[%get3A_360, %get3A_361] {strides = array<i32>} : memref<256x128xf32, #tpu.memory_space<vmem>>, vector<1x16xf32>,
        %get3A_363 = vector.shape_cast %get3A_362 : vector<1x16xf32> to vector<16xf32>
        %mul3A_364 = arith.mulf %get3A_347, %get3A_357 : vector<16xf32>
        %mul3A_365 = arith.mulf %get3A_353, %get3A_363 : vector<16xf32>
        %add3A_366 = arith.addf %mul3A_364, %mul3A_365 : vector<16xf32>
        %broadcast_in_dim3A_367 = vector.shape_cast %and3A_7 : vector<16xi32> to vector<16x1xi32>
        %gather3A_368 = vector.shape_cast %broadcast_in_dim3A_367 : vector<16x1xi32> to vector<16xi32>
        %gather3A_369 = tpu.dynamic_gather %add3A_366[%gather3A_368] in [0] : vector<16xf32>, vector<16xi32> -> vector<16xf32>
        %add3A_370 = arith.addf %add3A_366, %gather3A_369 : vector<16xf32>
        %broadcast_in_dim3A_371 = vector.shape_cast %and3A_13 : vector<16xi32> to vector<16x1xi32>
        %gather3A_372 = vector.shape_cast %broadcast_in_dim3A_371 : vector<16x1xi32> to vector<16xi32>
        %gather3A_373 = tpu.dynamic_gather %add3A_370[%gather3A_372] in [0] : vector<16xf32>, vector<16xi32> -> vector<16xf32>
        %add3A_374 = arith.addf %add3A_370, %gather3A_373 : vector<16xf32>
        %broadcast_in_dim3A_375 = vector.shape_cast %and3A_19 : vector<16xi32> to vector<16x1xi32>
        %gather3A_376 = vector.shape_cast %broadcast_in_dim3A_375 : vector<16x1xi32> to vector<16xi32>
        %gather3A_377 = tpu.dynamic_gather %add3A_374[%gather3A_376] in [0] : vector<16xf32>, vector<16xi32> -> vector<16xf32>
        %add3A_378 = arith.addf %add3A_374, %gather3A_377 : vector<16xf32>
        %broadcast_in_dim3A_379 = vector.shape_cast %and3A_25 : vector<16xi32> to vector<16x1xi32>
        %gather3A_380 = vector.shape_cast %broadcast_in_dim3A_379 : vector<16x1xi32> to vector<16xi32>
        %gather3A_381 = tpu.dynamic_gather %add3A_378[%gather3A_380] in [0] : vector<16xf32>, vector<16xi32> -> vector<16xf32>
        %add3A_382 = arith.addf %add3A_378, %gather3A_381 : vector<16xf32>
        %eq3A_383 = arith.constant 4 : i32
        %eq3A_384 = vector.broadcast %eq3A_383 : i32 to vector<16xi32>
        %eq3A_385 = arith.cmpi eq, %iota3A, %eq3A_384 : vector<16xi32>
        %select_n3A_386 = arith.select %eq3A_385, %add3A_382, %select_n3A_337 : vector<16xi1>, vector<16xf32>
        %add3A_387 = arith.constant 5 : i32
        %add3A_388 = arith.addi %mul3A_126, %add3A_387 : i32
        %slice3A_389 = vector.extract_strided_slice %mul3A_139 {offsets = [5], sizes = [1], strides = [1]} : vector<16xi32> to vector<1xi32>
        %squeeze3A_390 = vector.extract %slice3A_389[0] : i32 from vector<1xi32>
        %slice3A_391 = vector.extract_strided_slice %mul3A_145 {offsets = [5], sizes = [1], strides = [1]} : vector<16xi32> to vector<1xi32>
        %squeeze3A_392 = vector.extract %slice3A_391[0] : i32 from vector<1xi32>
        %get3A_393 = arith.index_cast %add3A_388 : i32 to index
        %get3A_394 = arith.index_cast %squeeze3A_390 : i32 to index
        %get3A_395 = tpu.vector_load %arg11[%get3A_393, %get3A_394] {strides = array<i32>} : memref<256x128xf32, #tpu.memory_space<vmem>>, vector<1x16xf32>,
        %get3A_396 = vector.shape_cast %get3A_395 : vector<1x16xf32> to vector<16xf32>
        %add3A_397 = arith.constant 16 : i32
        %add3A_398 = arith.addi %squeeze3A_390, %add3A_397 : i32
        %get3A_399 = arith.index_cast %add3A_388 : i32 to index
        %get3A_400 = arith.index_cast %add3A_398 : i32 to index
        %get3A_401 = tpu.vector_load %arg11[%get3A_399, %get3A_400] {strides = array<i32>} : memref<256x128xf32, #tpu.memory_space<vmem>>, vector<1x16xf32>,
        %get3A_402 = vector.shape_cast %get3A_401 : vector<1x16xf32> to vector<16xf32>
        %get3A_403 = arith.index_cast %add3A_388 : i32 to index
        %get3A_404 = arith.index_cast %squeeze3A_392 : i32 to index
        %get3A_405 = tpu.vector_load %arg12[%get3A_403, %get3A_404] {strides = array<i32>} : memref<256x128xf32, #tpu.memory_space<vmem>>, vector<1x16xf32>,
        %get3A_406 = vector.shape_cast %get3A_405 : vector<1x16xf32> to vector<16xf32>
        %add3A_407 = arith.constant 16 : i32
        %add3A_408 = arith.addi %squeeze3A_392, %add3A_407 : i32
        %get3A_409 = arith.index_cast %add3A_388 : i32 to index
        %get3A_410 = arith.index_cast %add3A_408 : i32 to index
        %get3A_411 = tpu.vector_load %arg12[%get3A_409, %get3A_410] {strides = array<i32>} : memref<256x128xf32, #tpu.memory_space<vmem>>, vector<1x16xf32>,
        %get3A_412 = vector.shape_cast %get3A_411 : vector<1x16xf32> to vector<16xf32>
        %mul3A_413 = arith.mulf %get3A_396, %get3A_406 : vector<16xf32>
        %mul3A_414 = arith.mulf %get3A_402, %get3A_412 : vector<16xf32>
        %add3A_415 = arith.addf %mul3A_413, %mul3A_414 : vector<16xf32>
        %broadcast_in_dim3A_416 = vector.shape_cast %and3A_7 : vector<16xi32> to vector<16x1xi32>
        %gather3A_417 = vector.shape_cast %broadcast_in_dim3A_416 : vector<16x1xi32> to vector<16xi32>
        %gather3A_418 = tpu.dynamic_gather %add3A_415[%gather3A_417] in [0] : vector<16xf32>, vector<16xi32> -> vector<16xf32>
        %add3A_419 = arith.addf %add3A_415, %gather3A_418 : vector<16xf32>
        %broadcast_in_dim3A_420 = vector.shape_cast %and3A_13 : vector<16xi32> to vector<16x1xi32>
        %gather3A_421 = vector.shape_cast %broadcast_in_dim3A_420 : vector<16x1xi32> to vector<16xi32>
        %gather3A_422 = tpu.dynamic_gather %add3A_419[%gather3A_421] in [0] : vector<16xf32>, vector<16xi32> -> vector<16xf32>
        %add3A_423 = arith.addf %add3A_419, %gather3A_422 : vector<16xf32>
        %broadcast_in_dim3A_424 = vector.shape_cast %and3A_19 : vector<16xi32> to vector<16x1xi32>
        %gather3A_425 = vector.shape_cast %broadcast_in_dim3A_424 : vector<16x1xi32> to vector<16xi32>
        %gather3A_426 = tpu.dynamic_gather %add3A_423[%gather3A_425] in [0] : vector<16xf32>, vector<16xi32> -> vector<16xf32>
        %add3A_427 = arith.addf %add3A_423, %gather3A_426 : vector<16xf32>
        %broadcast_in_dim3A_428 = vector.shape_cast %and3A_25 : vector<16xi32> to vector<16x1xi32>
        %gather3A_429 = vector.shape_cast %broadcast_in_dim3A_428 : vector<16x1xi32> to vector<16xi32>
        %gather3A_430 = tpu.dynamic_gather %add3A_427[%gather3A_429] in [0] : vector<16xf32>, vector<16xi32> -> vector<16xf32>
        %add3A_431 = arith.addf %add3A_427, %gather3A_430 : vector<16xf32>
        %eq3A_432 = arith.constant 5 : i32
        %eq3A_433 = vector.broadcast %eq3A_432 : i32 to vector<16xi32>
        %eq3A_434 = arith.cmpi eq, %iota3A, %eq3A_433 : vector<16xi32>
        %select_n3A_435 = arith.select %eq3A_434, %add3A_431, %select_n3A_386 : vector<16xi1>, vector<16xf32>
        %add3A_436 = arith.constant 6 : i32
        %add3A_437 = arith.addi %mul3A_126, %add3A_436 : i32
        %slice3A_438 = vector.extract_strided_slice %mul3A_139 {offsets = [6], sizes = [1], strides = [1]} : vector<16xi32> to vector<1xi32>
        %squeeze3A_439 = vector.extract %slice3A_438[0] : i32 from vector<1xi32>
        %slice3A_440 = vector.extract_strided_slice %mul3A_145 {offsets = [6], sizes = [1], strides = [1]} : vector<16xi32> to vector<1xi32>
        %squeeze3A_441 = vector.extract %slice3A_440[0] : i32 from vector<1xi32>
        %get3A_442 = arith.index_cast %add3A_437 : i32 to index
        %get3A_443 = arith.index_cast %squeeze3A_439 : i32 to index
        %get3A_444 = tpu.vector_load %arg11[%get3A_442, %get3A_443] {strides = array<i32>} : memref<256x128xf32, #tpu.memory_space<vmem>>, vector<1x16xf32>,
        %get3A_445 = vector.shape_cast %get3A_444 : vector<1x16xf32> to vector<16xf32>
        %add3A_446 = arith.constant 16 : i32
        %add3A_447 = arith.addi %squeeze3A_439, %add3A_446 : i32
        %get3A_448 = arith.index_cast %add3A_437 : i32 to index
        %get3A_449 = arith.index_cast %add3A_447 : i32 to index
        %get3A_450 = tpu.vector_load %arg11[%get3A_448, %get3A_449] {strides = array<i32>} : memref<256x128xf32, #tpu.memory_space<vmem>>, vector<1x16xf32>,
        %get3A_451 = vector.shape_cast %get3A_450 : vector<1x16xf32> to vector<16xf32>
        %get3A_452 = arith.index_cast %add3A_437 : i32 to index
        %get3A_453 = arith.index_cast %squeeze3A_441 : i32 to index
        %get3A_454 = tpu.vector_load %arg12[%get3A_452, %get3A_453] {strides = array<i32>} : memref<256x128xf32, #tpu.memory_space<vmem>>, vector<1x16xf32>,
        %get3A_455 = vector.shape_cast %get3A_454 : vector<1x16xf32> to vector<16xf32>
        %add3A_456 = arith.constant 16 : i32
        %add3A_457 = arith.addi %squeeze3A_441, %add3A_456 : i32
        %get3A_458 = arith.index_cast %add3A_437 : i32 to index
        %get3A_459 = arith.index_cast %add3A_457 : i32 to index
        %get3A_460 = tpu.vector_load %arg12[%get3A_458, %get3A_459] {strides = array<i32>} : memref<256x128xf32, #tpu.memory_space<vmem>>, vector<1x16xf32>,
        %get3A_461 = vector.shape_cast %get3A_460 : vector<1x16xf32> to vector<16xf32>
        %mul3A_462 = arith.mulf %get3A_445, %get3A_455 : vector<16xf32>
        %mul3A_463 = arith.mulf %get3A_451, %get3A_461 : vector<16xf32>
        %add3A_464 = arith.addf %mul3A_462, %mul3A_463 : vector<16xf32>
        %broadcast_in_dim3A_465 = vector.shape_cast %and3A_7 : vector<16xi32> to vector<16x1xi32>
        %gather3A_466 = vector.shape_cast %broadcast_in_dim3A_465 : vector<16x1xi32> to vector<16xi32>
        %gather3A_467 = tpu.dynamic_gather %add3A_464[%gather3A_466] in [0] : vector<16xf32>, vector<16xi32> -> vector<16xf32>
        %add3A_468 = arith.addf %add3A_464, %gather3A_467 : vector<16xf32>
        %broadcast_in_dim3A_469 = vector.shape_cast %and3A_13 : vector<16xi32> to vector<16x1xi32>
        %gather3A_470 = vector.shape_cast %broadcast_in_dim3A_469 : vector<16x1xi32> to vector<16xi32>
        %gather3A_471 = tpu.dynamic_gather %add3A_468[%gather3A_470] in [0] : vector<16xf32>, vector<16xi32> -> vector<16xf32>
        %add3A_472 = arith.addf %add3A_468, %gather3A_471 : vector<16xf32>
        %broadcast_in_dim3A_473 = vector.shape_cast %and3A_19 : vector<16xi32> to vector<16x1xi32>
        %gather3A_474 = vector.shape_cast %broadcast_in_dim3A_473 : vector<16x1xi32> to vector<16xi32>
        %gather3A_475 = tpu.dynamic_gather %add3A_472[%gather3A_474] in [0] : vector<16xf32>, vector<16xi32> -> vector<16xf32>
        %add3A_476 = arith.addf %add3A_472, %gather3A_475 : vector<16xf32>
        %broadcast_in_dim3A_477 = vector.shape_cast %and3A_25 : vector<16xi32> to vector<16x1xi32>
        %gather3A_478 = vector.shape_cast %broadcast_in_dim3A_477 : vector<16x1xi32> to vector<16xi32>
        %gather3A_479 = tpu.dynamic_gather %add3A_476[%gather3A_478] in [0] : vector<16xf32>, vector<16xi32> -> vector<16xf32>
        %add3A_480 = arith.addf %add3A_476, %gather3A_479 : vector<16xf32>
        %eq3A_481 = arith.constant 6 : i32
        %eq3A_482 = vector.broadcast %eq3A_481 : i32 to vector<16xi32>
        %eq3A_483 = arith.cmpi eq, %iota3A, %eq3A_482 : vector<16xi32>
        %select_n3A_484 = arith.select %eq3A_483, %add3A_480, %select_n3A_435 : vector<16xi1>, vector<16xf32>
        %add3A_485 = arith.constant 7 : i32
        %add3A_486 = arith.addi %mul3A_126, %add3A_485 : i32
        %slice3A_487 = vector.extract_strided_slice %mul3A_139 {offsets = [7], sizes = [1], strides = [1]} : vector<16xi32> to vector<1xi32>
        %squeeze3A_488 = vector.extract %slice3A_487[0] : i32 from vector<1xi32>
        %slice3A_489 = vector.extract_strided_slice %mul3A_145 {offsets = [7], sizes = [1], strides = [1]} : vector<16xi32> to vector<1xi32>
        %squeeze3A_490 = vector.extract %slice3A_489[0] : i32 from vector<1xi32>
        %get3A_491 = arith.index_cast %add3A_486 : i32 to index
        %get3A_492 = arith.index_cast %squeeze3A_488 : i32 to index
        %get3A_493 = tpu.vector_load %arg11[%get3A_491, %get3A_492] {strides = array<i32>} : memref<256x128xf32, #tpu.memory_space<vmem>>, vector<1x16xf32>,
        %get3A_494 = vector.shape_cast %get3A_493 : vector<1x16xf32> to vector<16xf32>
        %add3A_495 = arith.constant 16 : i32
        %add3A_496 = arith.addi %squeeze3A_488, %add3A_495 : i32
        %get3A_497 = arith.index_cast %add3A_486 : i32 to index
        %get3A_498 = arith.index_cast %add3A_496 : i32 to index
        %get3A_499 = tpu.vector_load %arg11[%get3A_497, %get3A_498] {strides = array<i32>} : memref<256x128xf32, #tpu.memory_space<vmem>>, vector<1x16xf32>,
        %get3A_500 = vector.shape_cast %get3A_499 : vector<1x16xf32> to vector<16xf32>
        %get3A_501 = arith.index_cast %add3A_486 : i32 to index
        %get3A_502 = arith.index_cast %squeeze3A_490 : i32 to index
        %get3A_503 = tpu.vector_load %arg12[%get3A_501, %get3A_502] {strides = array<i32>} : memref<256x128xf32, #tpu.memory_space<vmem>>, vector<1x16xf32>,
        %get3A_504 = vector.shape_cast %get3A_503 : vector<1x16xf32> to vector<16xf32>
        %add3A_505 = arith.constant 16 : i32
        %add3A_506 = arith.addi %squeeze3A_490, %add3A_505 : i32
        %get3A_507 = arith.index_cast %add3A_486 : i32 to index
        %get3A_508 = arith.index_cast %add3A_506 : i32 to index
        %get3A_509 = tpu.vector_load %arg12[%get3A_507, %get3A_508] {strides = array<i32>} : memref<256x128xf32, #tpu.memory_space<vmem>>, vector<1x16xf32>,
        %get3A_510 = vector.shape_cast %get3A_509 : vector<1x16xf32> to vector<16xf32>
        %mul3A_511 = arith.mulf %get3A_494, %get3A_504 : vector<16xf32>
        %mul3A_512 = arith.mulf %get3A_500, %get3A_510 : vector<16xf32>
        %add3A_513 = arith.addf %mul3A_511, %mul3A_512 : vector<16xf32>
        %broadcast_in_dim3A_514 = vector.shape_cast %and3A_7 : vector<16xi32> to vector<16x1xi32>
        %gather3A_515 = vector.shape_cast %broadcast_in_dim3A_514 : vector<16x1xi32> to vector<16xi32>
        %gather3A_516 = tpu.dynamic_gather %add3A_513[%gather3A_515] in [0] : vector<16xf32>, vector<16xi32> -> vector<16xf32>
        %add3A_517 = arith.addf %add3A_513, %gather3A_516 : vector<16xf32>
        %broadcast_in_dim3A_518 = vector.shape_cast %and3A_13 : vector<16xi32> to vector<16x1xi32>
        %gather3A_519 = vector.shape_cast %broadcast_in_dim3A_518 : vector<16x1xi32> to vector<16xi32>
        %gather3A_520 = tpu.dynamic_gather %add3A_517[%gather3A_519] in [0] : vector<16xf32>, vector<16xi32> -> vector<16xf32>
        %add3A_521 = arith.addf %add3A_517, %gather3A_520 : vector<16xf32>
        %broadcast_in_dim3A_522 = vector.shape_cast %and3A_19 : vector<16xi32> to vector<16x1xi32>
        %gather3A_523 = vector.shape_cast %broadcast_in_dim3A_522 : vector<16x1xi32> to vector<16xi32>
        %gather3A_524 = tpu.dynamic_gather %add3A_521[%gather3A_523] in [0] : vector<16xf32>, vector<16xi32> -> vector<16xf32>
        %add3A_525 = arith.addf %add3A_521, %gather3A_524 : vector<16xf32>
        %broadcast_in_dim3A_526 = vector.shape_cast %and3A_25 : vector<16xi32> to vector<16x1xi32>
        %gather3A_527 = vector.shape_cast %broadcast_in_dim3A_526 : vector<16x1xi32> to vector<16xi32>
        %gather3A_528 = tpu.dynamic_gather %add3A_525[%gather3A_527] in [0] : vector<16xf32>, vector<16xi32> -> vector<16xf32>
        %add3A_529 = arith.addf %add3A_525, %gather3A_528 : vector<16xf32>
        %eq3A_530 = arith.constant 7 : i32
        %eq3A_531 = vector.broadcast %eq3A_530 : i32 to vector<16xi32>
        %eq3A_532 = arith.cmpi eq, %iota3A, %eq3A_531 : vector<16xi32>
        %select_n3A_533 = arith.select %eq3A_532, %add3A_529, %select_n3A_484 : vector<16xi1>, vector<16xf32>
        %add3A_534 = arith.constant 8 : i32
        %add3A_535 = arith.addi %mul3A_126, %add3A_534 : i32
        %slice3A_536 = vector.extract_strided_slice %mul3A_139 {offsets = [8], sizes = [1], strides = [1]} : vector<16xi32> to vector<1xi32>
        %squeeze3A_537 = vector.extract %slice3A_536[0] : i32 from vector<1xi32>
        %slice3A_538 = vector.extract_strided_slice %mul3A_145 {offsets = [8], sizes = [1], strides = [1]} : vector<16xi32> to vector<1xi32>
        %squeeze3A_539 = vector.extract %slice3A_538[0] : i32 from vector<1xi32>
        %get3A_540 = arith.index_cast %add3A_535 : i32 to index
        %get3A_541 = arith.index_cast %squeeze3A_537 : i32 to index
        %get3A_542 = tpu.vector_load %arg11[%get3A_540, %get3A_541] {strides = array<i32>} : memref<256x128xf32, #tpu.memory_space<vmem>>, vector<1x16xf32>,
        %get3A_543 = vector.shape_cast %get3A_542 : vector<1x16xf32> to vector<16xf32>
        %add3A_544 = arith.constant 16 : i32
        %add3A_545 = arith.addi %squeeze3A_537, %add3A_544 : i32
        %get3A_546 = arith.index_cast %add3A_535 : i32 to index
        %get3A_547 = arith.index_cast %add3A_545 : i32 to index
        %get3A_548 = tpu.vector_load %arg11[%get3A_546, %get3A_547] {strides = array<i32>} : memref<256x128xf32, #tpu.memory_space<vmem>>, vector<1x16xf32>,
        %get3A_549 = vector.shape_cast %get3A_548 : vector<1x16xf32> to vector<16xf32>
        %get3A_550 = arith.index_cast %add3A_535 : i32 to index
        %get3A_551 = arith.index_cast %squeeze3A_539 : i32 to index
        %get3A_552 = tpu.vector_load %arg12[%get3A_550, %get3A_551] {strides = array<i32>} : memref<256x128xf32, #tpu.memory_space<vmem>>, vector<1x16xf32>,
        %get3A_553 = vector.shape_cast %get3A_552 : vector<1x16xf32> to vector<16xf32>
        %add3A_554 = arith.constant 16 : i32
        %add3A_555 = arith.addi %squeeze3A_539, %add3A_554 : i32
        %get3A_556 = arith.index_cast %add3A_535 : i32 to index
        %get3A_557 = arith.index_cast %add3A_555 : i32 to index
        %get3A_558 = tpu.vector_load %arg12[%get3A_556, %get3A_557] {strides = array<i32>} : memref<256x128xf32, #tpu.memory_space<vmem>>, vector<1x16xf32>,
        %get3A_559 = vector.shape_cast %get3A_558 : vector<1x16xf32> to vector<16xf32>
        %mul3A_560 = arith.mulf %get3A_543, %get3A_553 : vector<16xf32>
        %mul3A_561 = arith.mulf %get3A_549, %get3A_559 : vector<16xf32>
        %add3A_562 = arith.addf %mul3A_560, %mul3A_561 : vector<16xf32>
        %broadcast_in_dim3A_563 = vector.shape_cast %and3A_7 : vector<16xi32> to vector<16x1xi32>
        %gather3A_564 = vector.shape_cast %broadcast_in_dim3A_563 : vector<16x1xi32> to vector<16xi32>
        %gather3A_565 = tpu.dynamic_gather %add3A_562[%gather3A_564] in [0] : vector<16xf32>, vector<16xi32> -> vector<16xf32>
        %add3A_566 = arith.addf %add3A_562, %gather3A_565 : vector<16xf32>
        %broadcast_in_dim3A_567 = vector.shape_cast %and3A_13 : vector<16xi32> to vector<16x1xi32>
        %gather3A_568 = vector.shape_cast %broadcast_in_dim3A_567 : vector<16x1xi32> to vector<16xi32>
        %gather3A_569 = tpu.dynamic_gather %add3A_566[%gather3A_568] in [0] : vector<16xf32>, vector<16xi32> -> vector<16xf32>
        %add3A_570 = arith.addf %add3A_566, %gather3A_569 : vector<16xf32>
        %broadcast_in_dim3A_571 = vector.shape_cast %and3A_19 : vector<16xi32> to vector<16x1xi32>
        %gather3A_572 = vector.shape_cast %broadcast_in_dim3A_571 : vector<16x1xi32> to vector<16xi32>
        %gather3A_573 = tpu.dynamic_gather %add3A_570[%gather3A_572] in [0] : vector<16xf32>, vector<16xi32> -> vector<16xf32>
        %add3A_574 = arith.addf %add3A_570, %gather3A_573 : vector<16xf32>
        %broadcast_in_dim3A_575 = vector.shape_cast %and3A_25 : vector<16xi32> to vector<16x1xi32>
        %gather3A_576 = vector.shape_cast %broadcast_in_dim3A_575 : vector<16x1xi32> to vector<16xi32>
        %gather3A_577 = tpu.dynamic_gather %add3A_574[%gather3A_576] in [0] : vector<16xf32>, vector<16xi32> -> vector<16xf32>
        %add3A_578 = arith.addf %add3A_574, %gather3A_577 : vector<16xf32>
        %eq3A_579 = arith.constant 8 : i32
        %eq3A_580 = vector.broadcast %eq3A_579 : i32 to vector<16xi32>
        %eq3A_581 = arith.cmpi eq, %iota3A, %eq3A_580 : vector<16xi32>
        %select_n3A_582 = arith.select %eq3A_581, %add3A_578, %select_n3A_533 : vector<16xi1>, vector<16xf32>
        %add3A_583 = arith.constant 9 : i32
        %add3A_584 = arith.addi %mul3A_126, %add3A_583 : i32
        %slice3A_585 = vector.extract_strided_slice %mul3A_139 {offsets = [9], sizes = [1], strides = [1]} : vector<16xi32> to vector<1xi32>
        %squeeze3A_586 = vector.extract %slice3A_585[0] : i32 from vector<1xi32>
        %slice3A_587 = vector.extract_strided_slice %mul3A_145 {offsets = [9], sizes = [1], strides = [1]} : vector<16xi32> to vector<1xi32>
        %squeeze3A_588 = vector.extract %slice3A_587[0] : i32 from vector<1xi32>
        %get3A_589 = arith.index_cast %add3A_584 : i32 to index
        %get3A_590 = arith.index_cast %squeeze3A_586 : i32 to index
        %get3A_591 = tpu.vector_load %arg11[%get3A_589, %get3A_590] {strides = array<i32>} : memref<256x128xf32, #tpu.memory_space<vmem>>, vector<1x16xf32>,
        %get3A_592 = vector.shape_cast %get3A_591 : vector<1x16xf32> to vector<16xf32>
        %add3A_593 = arith.constant 16 : i32
        %add3A_594 = arith.addi %squeeze3A_586, %add3A_593 : i32
        %get3A_595 = arith.index_cast %add3A_584 : i32 to index
        %get3A_596 = arith.index_cast %add3A_594 : i32 to index
        %get3A_597 = tpu.vector_load %arg11[%get3A_595, %get3A_596] {strides = array<i32>} : memref<256x128xf32, #tpu.memory_space<vmem>>, vector<1x16xf32>,
        %get3A_598 = vector.shape_cast %get3A_597 : vector<1x16xf32> to vector<16xf32>
        %get3A_599 = arith.index_cast %add3A_584 : i32 to index
        %get3A_600 = arith.index_cast %squeeze3A_588 : i32 to index
        %get3A_601 = tpu.vector_load %arg12[%get3A_599, %get3A_600] {strides = array<i32>} : memref<256x128xf32, #tpu.memory_space<vmem>>, vector<1x16xf32>,
        %get3A_602 = vector.shape_cast %get3A_601 : vector<1x16xf32> to vector<16xf32>
        %add3A_603 = arith.constant 16 : i32
        %add3A_604 = arith.addi %squeeze3A_588, %add3A_603 : i32
        %get3A_605 = arith.index_cast %add3A_584 : i32 to index
        %get3A_606 = arith.index_cast %add3A_604 : i32 to index
        %get3A_607 = tpu.vector_load %arg12[%get3A_605, %get3A_606] {strides = array<i32>} : memref<256x128xf32, #tpu.memory_space<vmem>>, vector<1x16xf32>,
        %get3A_608 = vector.shape_cast %get3A_607 : vector<1x16xf32> to vector<16xf32>
        %mul3A_609 = arith.mulf %get3A_592, %get3A_602 : vector<16xf32>
        %mul3A_610 = arith.mulf %get3A_598, %get3A_608 : vector<16xf32>
        %add3A_611 = arith.addf %mul3A_609, %mul3A_610 : vector<16xf32>
        %broadcast_in_dim3A_612 = vector.shape_cast %and3A_7 : vector<16xi32> to vector<16x1xi32>
        %gather3A_613 = vector.shape_cast %broadcast_in_dim3A_612 : vector<16x1xi32> to vector<16xi32>
        %gather3A_614 = tpu.dynamic_gather %add3A_611[%gather3A_613] in [0] : vector<16xf32>, vector<16xi32> -> vector<16xf32>
        %add3A_615 = arith.addf %add3A_611, %gather3A_614 : vector<16xf32>
        %broadcast_in_dim3A_616 = vector.shape_cast %and3A_13 : vector<16xi32> to vector<16x1xi32>
        %gather3A_617 = vector.shape_cast %broadcast_in_dim3A_616 : vector<16x1xi32> to vector<16xi32>
        %gather3A_618 = tpu.dynamic_gather %add3A_615[%gather3A_617] in [0] : vector<16xf32>, vector<16xi32> -> vector<16xf32>
        %add3A_619 = arith.addf %add3A_615, %gather3A_618 : vector<16xf32>
        %broadcast_in_dim3A_620 = vector.shape_cast %and3A_19 : vector<16xi32> to vector<16x1xi32>
        %gather3A_621 = vector.shape_cast %broadcast_in_dim3A_620 : vector<16x1xi32> to vector<16xi32>
        %gather3A_622 = tpu.dynamic_gather %add3A_619[%gather3A_621] in [0] : vector<16xf32>, vector<16xi32> -> vector<16xf32>
        %add3A_623 = arith.addf %add3A_619, %gather3A_622 : vector<16xf32>
        %broadcast_in_dim3A_624 = vector.shape_cast %and3A_25 : vector<16xi32> to vector<16x1xi32>
        %gather3A_625 = vector.shape_cast %broadcast_in_dim3A_624 : vector<16x1xi32> to vector<16xi32>
        %gather3A_626 = tpu.dynamic_gather %add3A_623[%gather3A_625] in [0] : vector<16xf32>, vector<16xi32> -> vector<16xf32>
        %add3A_627 = arith.addf %add3A_623, %gather3A_626 : vector<16xf32>
        %eq3A_628 = arith.constant 9 : i32
        %eq3A_629 = vector.broadcast %eq3A_628 : i32 to vector<16xi32>
        %eq3A_630 = arith.cmpi eq, %iota3A, %eq3A_629 : vector<16xi32>
        %select_n3A_631 = arith.select %eq3A_630, %add3A_627, %select_n3A_582 : vector<16xi1>, vector<16xf32>
        %add3A_632 = arith.constant 10 : i32
        %add3A_633 = arith.addi %mul3A_126, %add3A_632 : i32
        %slice3A_634 = vector.extract_strided_slice %mul3A_139 {offsets = [10], sizes = [1], strides = [1]} : vector<16xi32> to vector<1xi32>
        %squeeze3A_635 = vector.extract %slice3A_634[0] : i32 from vector<1xi32>
        %slice3A_636 = vector.extract_strided_slice %mul3A_145 {offsets = [10], sizes = [1], strides = [1]} : vector<16xi32> to vector<1xi32>
        %squeeze3A_637 = vector.extract %slice3A_636[0] : i32 from vector<1xi32>
        %get3A_638 = arith.index_cast %add3A_633 : i32 to index
        %get3A_639 = arith.index_cast %squeeze3A_635 : i32 to index
        %get3A_640 = tpu.vector_load %arg11[%get3A_638, %get3A_639] {strides = array<i32>} : memref<256x128xf32, #tpu.memory_space<vmem>>, vector<1x16xf32>,
        %get3A_641 = vector.shape_cast %get3A_640 : vector<1x16xf32> to vector<16xf32>
        %add3A_642 = arith.constant 16 : i32
        %add3A_643 = arith.addi %squeeze3A_635, %add3A_642 : i32
        %get3A_644 = arith.index_cast %add3A_633 : i32 to index
        %get3A_645 = arith.index_cast %add3A_643 : i32 to index
        %get3A_646 = tpu.vector_load %arg11[%get3A_644, %get3A_645] {strides = array<i32>} : memref<256x128xf32, #tpu.memory_space<vmem>>, vector<1x16xf32>,
        %get3A_647 = vector.shape_cast %get3A_646 : vector<1x16xf32> to vector<16xf32>
        %get3A_648 = arith.index_cast %add3A_633 : i32 to index
        %get3A_649 = arith.index_cast %squeeze3A_637 : i32 to index
        %get3A_650 = tpu.vector_load %arg12[%get3A_648, %get3A_649] {strides = array<i32>} : memref<256x128xf32, #tpu.memory_space<vmem>>, vector<1x16xf32>,
        %get3A_651 = vector.shape_cast %get3A_650 : vector<1x16xf32> to vector<16xf32>
        %add3A_652 = arith.constant 16 : i32
        %add3A_653 = arith.addi %squeeze3A_637, %add3A_652 : i32
        %get3A_654 = arith.index_cast %add3A_633 : i32 to index
        %get3A_655 = arith.index_cast %add3A_653 : i32 to index
        %get3A_656 = tpu.vector_load %arg12[%get3A_654, %get3A_655] {strides = array<i32>} : memref<256x128xf32, #tpu.memory_space<vmem>>, vector<1x16xf32>,
        %get3A_657 = vector.shape_cast %get3A_656 : vector<1x16xf32> to vector<16xf32>
        %mul3A_658 = arith.mulf %get3A_641, %get3A_651 : vector<16xf32>
        %mul3A_659 = arith.mulf %get3A_647, %get3A_657 : vector<16xf32>
        %add3A_660 = arith.addf %mul3A_658, %mul3A_659 : vector<16xf32>
        %broadcast_in_dim3A_661 = vector.shape_cast %and3A_7 : vector<16xi32> to vector<16x1xi32>
        %gather3A_662 = vector.shape_cast %broadcast_in_dim3A_661 : vector<16x1xi32> to vector<16xi32>
        %gather3A_663 = tpu.dynamic_gather %add3A_660[%gather3A_662] in [0] : vector<16xf32>, vector<16xi32> -> vector<16xf32>
        %add3A_664 = arith.addf %add3A_660, %gather3A_663 : vector<16xf32>
        %broadcast_in_dim3A_665 = vector.shape_cast %and3A_13 : vector<16xi32> to vector<16x1xi32>
        %gather3A_666 = vector.shape_cast %broadcast_in_dim3A_665 : vector<16x1xi32> to vector<16xi32>
        %gather3A_667 = tpu.dynamic_gather %add3A_664[%gather3A_666] in [0] : vector<16xf32>, vector<16xi32> -> vector<16xf32>
        %add3A_668 = arith.addf %add3A_664, %gather3A_667 : vector<16xf32>
        %broadcast_in_dim3A_669 = vector.shape_cast %and3A_19 : vector<16xi32> to vector<16x1xi32>
        %gather3A_670 = vector.shape_cast %broadcast_in_dim3A_669 : vector<16x1xi32> to vector<16xi32>
        %gather3A_671 = tpu.dynamic_gather %add3A_668[%gather3A_670] in [0] : vector<16xf32>, vector<16xi32> -> vector<16xf32>
        %add3A_672 = arith.addf %add3A_668, %gather3A_671 : vector<16xf32>
        %broadcast_in_dim3A_673 = vector.shape_cast %and3A_25 : vector<16xi32> to vector<16x1xi32>
        %gather3A_674 = vector.shape_cast %broadcast_in_dim3A_673 : vector<16x1xi32> to vector<16xi32>
        %gather3A_675 = tpu.dynamic_gather %add3A_672[%gather3A_674] in [0] : vector<16xf32>, vector<16xi32> -> vector<16xf32>
        %add3A_676 = arith.addf %add3A_672, %gather3A_675 : vector<16xf32>
        %eq3A_677 = arith.constant 10 : i32
        %eq3A_678 = vector.broadcast %eq3A_677 : i32 to vector<16xi32>
        %eq3A_679 = arith.cmpi eq, %iota3A, %eq3A_678 : vector<16xi32>
        %select_n3A_680 = arith.select %eq3A_679, %add3A_676, %select_n3A_631 : vector<16xi1>, vector<16xf32>
        %add3A_681 = arith.constant 11 : i32
        %add3A_682 = arith.addi %mul3A_126, %add3A_681 : i32
        %slice3A_683 = vector.extract_strided_slice %mul3A_139 {offsets = [11], sizes = [1], strides = [1]} : vector<16xi32> to vector<1xi32>
        %squeeze3A_684 = vector.extract %slice3A_683[0] : i32 from vector<1xi32>
        %slice3A_685 = vector.extract_strided_slice %mul3A_145 {offsets = [11], sizes = [1], strides = [1]} : vector<16xi32> to vector<1xi32>
        %squeeze3A_686 = vector.extract %slice3A_685[0] : i32 from vector<1xi32>
        %get3A_687 = arith.index_cast %add3A_682 : i32 to index
        %get3A_688 = arith.index_cast %squeeze3A_684 : i32 to index
        %get3A_689 = tpu.vector_load %arg11[%get3A_687, %get3A_688] {strides = array<i32>} : memref<256x128xf32, #tpu.memory_space<vmem>>, vector<1x16xf32>,
        %get3A_690 = vector.shape_cast %get3A_689 : vector<1x16xf32> to vector<16xf32>
        %add3A_691 = arith.constant 16 : i32
        %add3A_692 = arith.addi %squeeze3A_684, %add3A_691 : i32
        %get3A_693 = arith.index_cast %add3A_682 : i32 to index
        %get3A_694 = arith.index_cast %add3A_692 : i32 to index
        %get3A_695 = tpu.vector_load %arg11[%get3A_693, %get3A_694] {strides = array<i32>} : memref<256x128xf32, #tpu.memory_space<vmem>>, vector<1x16xf32>,
        %get3A_696 = vector.shape_cast %get3A_695 : vector<1x16xf32> to vector<16xf32>
        %get3A_697 = arith.index_cast %add3A_682 : i32 to index
        %get3A_698 = arith.index_cast %squeeze3A_686 : i32 to index
        %get3A_699 = tpu.vector_load %arg12[%get3A_697, %get3A_698] {strides = array<i32>} : memref<256x128xf32, #tpu.memory_space<vmem>>, vector<1x16xf32>,
        %get3A_700 = vector.shape_cast %get3A_699 : vector<1x16xf32> to vector<16xf32>
        %add3A_701 = arith.constant 16 : i32
        %add3A_702 = arith.addi %squeeze3A_686, %add3A_701 : i32
        %get3A_703 = arith.index_cast %add3A_682 : i32 to index
        %get3A_704 = arith.index_cast %add3A_702 : i32 to index
        %get3A_705 = tpu.vector_load %arg12[%get3A_703, %get3A_704] {strides = array<i32>} : memref<256x128xf32, #tpu.memory_space<vmem>>, vector<1x16xf32>,
        %get3A_706 = vector.shape_cast %get3A_705 : vector<1x16xf32> to vector<16xf32>
        %mul3A_707 = arith.mulf %get3A_690, %get3A_700 : vector<16xf32>
        %mul3A_708 = arith.mulf %get3A_696, %get3A_706 : vector<16xf32>
        %add3A_709 = arith.addf %mul3A_707, %mul3A_708 : vector<16xf32>
        %broadcast_in_dim3A_710 = vector.shape_cast %and3A_7 : vector<16xi32> to vector<16x1xi32>
        %gather3A_711 = vector.shape_cast %broadcast_in_dim3A_710 : vector<16x1xi32> to vector<16xi32>
        %gather3A_712 = tpu.dynamic_gather %add3A_709[%gather3A_711] in [0] : vector<16xf32>, vector<16xi32> -> vector<16xf32>
        %add3A_713 = arith.addf %add3A_709, %gather3A_712 : vector<16xf32>
        %broadcast_in_dim3A_714 = vector.shape_cast %and3A_13 : vector<16xi32> to vector<16x1xi32>
        %gather3A_715 = vector.shape_cast %broadcast_in_dim3A_714 : vector<16x1xi32> to vector<16xi32>
        %gather3A_716 = tpu.dynamic_gather %add3A_713[%gather3A_715] in [0] : vector<16xf32>, vector<16xi32> -> vector<16xf32>
        %add3A_717 = arith.addf %add3A_713, %gather3A_716 : vector<16xf32>
        %broadcast_in_dim3A_718 = vector.shape_cast %and3A_19 : vector<16xi32> to vector<16x1xi32>
        %gather3A_719 = vector.shape_cast %broadcast_in_dim3A_718 : vector<16x1xi32> to vector<16xi32>
        %gather3A_720 = tpu.dynamic_gather %add3A_717[%gather3A_719] in [0] : vector<16xf32>, vector<16xi32> -> vector<16xf32>
        %add3A_721 = arith.addf %add3A_717, %gather3A_720 : vector<16xf32>
        %broadcast_in_dim3A_722 = vector.shape_cast %and3A_25 : vector<16xi32> to vector<16x1xi32>
        %gather3A_723 = vector.shape_cast %broadcast_in_dim3A_722 : vector<16x1xi32> to vector<16xi32>
        %gather3A_724 = tpu.dynamic_gather %add3A_721[%gather3A_723] in [0] : vector<16xf32>, vector<16xi32> -> vector<16xf32>
        %add3A_725 = arith.addf %add3A_721, %gather3A_724 : vector<16xf32>
        %eq3A_726 = arith.constant 11 : i32
        %eq3A_727 = vector.broadcast %eq3A_726 : i32 to vector<16xi32>
        %eq3A_728 = arith.cmpi eq, %iota3A, %eq3A_727 : vector<16xi32>
        %select_n3A_729 = arith.select %eq3A_728, %add3A_725, %select_n3A_680 : vector<16xi1>, vector<16xf32>
        %add3A_730 = arith.constant 12 : i32
        %add3A_731 = arith.addi %mul3A_126, %add3A_730 : i32
        %slice3A_732 = vector.extract_strided_slice %mul3A_139 {offsets = [12], sizes = [1], strides = [1]} : vector<16xi32> to vector<1xi32>
        %squeeze3A_733 = vector.extract %slice3A_732[0] : i32 from vector<1xi32>
        %slice3A_734 = vector.extract_strided_slice %mul3A_145 {offsets = [12], sizes = [1], strides = [1]} : vector<16xi32> to vector<1xi32>
        %squeeze3A_735 = vector.extract %slice3A_734[0] : i32 from vector<1xi32>
        %get3A_736 = arith.index_cast %add3A_731 : i32 to index
        %get3A_737 = arith.index_cast %squeeze3A_733 : i32 to index
        %get3A_738 = tpu.vector_load %arg11[%get3A_736, %get3A_737] {strides = array<i32>} : memref<256x128xf32, #tpu.memory_space<vmem>>, vector<1x16xf32>,
        %get3A_739 = vector.shape_cast %get3A_738 : vector<1x16xf32> to vector<16xf32>
        %add3A_740 = arith.constant 16 : i32
        %add3A_741 = arith.addi %squeeze3A_733, %add3A_740 : i32
        %get3A_742 = arith.index_cast %add3A_731 : i32 to index
        %get3A_743 = arith.index_cast %add3A_741 : i32 to index
        %get3A_744 = tpu.vector_load %arg11[%get3A_742, %get3A_743] {strides = array<i32>} : memref<256x128xf32, #tpu.memory_space<vmem>>, vector<1x16xf32>,
        %get3A_745 = vector.shape_cast %get3A_744 : vector<1x16xf32> to vector<16xf32>
        %get3A_746 = arith.index_cast %add3A_731 : i32 to index
        %get3A_747 = arith.index_cast %squeeze3A_735 : i32 to index
        %get3A_748 = tpu.vector_load %arg12[%get3A_746, %get3A_747] {strides = array<i32>} : memref<256x128xf32, #tpu.memory_space<vmem>>, vector<1x16xf32>,
        %get3A_749 = vector.shape_cast %get3A_748 : vector<1x16xf32> to vector<16xf32>
        %add3A_750 = arith.constant 16 : i32
        %add3A_751 = arith.addi %squeeze3A_735, %add3A_750 : i32
        %get3A_752 = arith.index_cast %add3A_731 : i32 to index
        %get3A_753 = arith.index_cast %add3A_751 : i32 to index
        %get3A_754 = tpu.vector_load %arg12[%get3A_752, %get3A_753] {strides = array<i32>} : memref<256x128xf32, #tpu.memory_space<vmem>>, vector<1x16xf32>,
        %get3A_755 = vector.shape_cast %get3A_754 : vector<1x16xf32> to vector<16xf32>
        %mul3A_756 = arith.mulf %get3A_739, %get3A_749 : vector<16xf32>
        %mul3A_757 = arith.mulf %get3A_745, %get3A_755 : vector<16xf32>
        %add3A_758 = arith.addf %mul3A_756, %mul3A_757 : vector<16xf32>
        %broadcast_in_dim3A_759 = vector.shape_cast %and3A_7 : vector<16xi32> to vector<16x1xi32>
        %gather3A_760 = vector.shape_cast %broadcast_in_dim3A_759 : vector<16x1xi32> to vector<16xi32>
        %gather3A_761 = tpu.dynamic_gather %add3A_758[%gather3A_760] in [0] : vector<16xf32>, vector<16xi32> -> vector<16xf32>
        %add3A_762 = arith.addf %add3A_758, %gather3A_761 : vector<16xf32>
        %broadcast_in_dim3A_763 = vector.shape_cast %and3A_13 : vector<16xi32> to vector<16x1xi32>
        %gather3A_764 = vector.shape_cast %broadcast_in_dim3A_763 : vector<16x1xi32> to vector<16xi32>
        %gather3A_765 = tpu.dynamic_gather %add3A_762[%gather3A_764] in [0] : vector<16xf32>, vector<16xi32> -> vector<16xf32>
        %add3A_766 = arith.addf %add3A_762, %gather3A_765 : vector<16xf32>
        %broadcast_in_dim3A_767 = vector.shape_cast %and3A_19 : vector<16xi32> to vector<16x1xi32>
        %gather3A_768 = vector.shape_cast %broadcast_in_dim3A_767 : vector<16x1xi32> to vector<16xi32>
        %gather3A_769 = tpu.dynamic_gather %add3A_766[%gather3A_768] in [0] : vector<16xf32>, vector<16xi32> -> vector<16xf32>
        %add3A_770 = arith.addf %add3A_766, %gather3A_769 : vector<16xf32>
        %broadcast_in_dim3A_771 = vector.shape_cast %and3A_25 : vector<16xi32> to vector<16x1xi32>
        %gather3A_772 = vector.shape_cast %broadcast_in_dim3A_771 : vector<16x1xi32> to vector<16xi32>
        %gather3A_773 = tpu.dynamic_gather %add3A_770[%gather3A_772] in [0] : vector<16xf32>, vector<16xi32> -> vector<16xf32>
        %add3A_774 = arith.addf %add3A_770, %gather3A_773 : vector<16xf32>
        %eq3A_775 = arith.constant 12 : i32
        %eq3A_776 = vector.broadcast %eq3A_775 : i32 to vector<16xi32>
        %eq3A_777 = arith.cmpi eq, %iota3A, %eq3A_776 : vector<16xi32>
        %select_n3A_778 = arith.select %eq3A_777, %add3A_774, %select_n3A_729 : vector<16xi1>, vector<16xf32>
        %add3A_779 = arith.constant 13 : i32
        %add3A_780 = arith.addi %mul3A_126, %add3A_779 : i32
        %slice3A_781 = vector.extract_strided_slice %mul3A_139 {offsets = [13], sizes = [1], strides = [1]} : vector<16xi32> to vector<1xi32>
        %squeeze3A_782 = vector.extract %slice3A_781[0] : i32 from vector<1xi32>
        %slice3A_783 = vector.extract_strided_slice %mul3A_145 {offsets = [13], sizes = [1], strides = [1]} : vector<16xi32> to vector<1xi32>
        %squeeze3A_784 = vector.extract %slice3A_783[0] : i32 from vector<1xi32>
        %get3A_785 = arith.index_cast %add3A_780 : i32 to index
        %get3A_786 = arith.index_cast %squeeze3A_782 : i32 to index
        %get3A_787 = tpu.vector_load %arg11[%get3A_785, %get3A_786] {strides = array<i32>} : memref<256x128xf32, #tpu.memory_space<vmem>>, vector<1x16xf32>,
        %get3A_788 = vector.shape_cast %get3A_787 : vector<1x16xf32> to vector<16xf32>
        %add3A_789 = arith.constant 16 : i32
        %add3A_790 = arith.addi %squeeze3A_782, %add3A_789 : i32
        %get3A_791 = arith.index_cast %add3A_780 : i32 to index
        %get3A_792 = arith.index_cast %add3A_790 : i32 to index
        %get3A_793 = tpu.vector_load %arg11[%get3A_791, %get3A_792] {strides = array<i32>} : memref<256x128xf32, #tpu.memory_space<vmem>>, vector<1x16xf32>,
        %get3A_794 = vector.shape_cast %get3A_793 : vector<1x16xf32> to vector<16xf32>
        %get3A_795 = arith.index_cast %add3A_780 : i32 to index
        %get3A_796 = arith.index_cast %squeeze3A_784 : i32 to index
        %get3A_797 = tpu.vector_load %arg12[%get3A_795, %get3A_796] {strides = array<i32>} : memref<256x128xf32, #tpu.memory_space<vmem>>, vector<1x16xf32>,
        %get3A_798 = vector.shape_cast %get3A_797 : vector<1x16xf32> to vector<16xf32>
        %add3A_799 = arith.constant 16 : i32
        %add3A_800 = arith.addi %squeeze3A_784, %add3A_799 : i32
        %get3A_801 = arith.index_cast %add3A_780 : i32 to index
        %get3A_802 = arith.index_cast %add3A_800 : i32 to index
        %get3A_803 = tpu.vector_load %arg12[%get3A_801, %get3A_802] {strides = array<i32>} : memref<256x128xf32, #tpu.memory_space<vmem>>, vector<1x16xf32>,
        %get3A_804 = vector.shape_cast %get3A_803 : vector<1x16xf32> to vector<16xf32>
        %mul3A_805 = arith.mulf %get3A_788, %get3A_798 : vector<16xf32>
        %mul3A_806 = arith.mulf %get3A_794, %get3A_804 : vector<16xf32>
        %add3A_807 = arith.addf %mul3A_805, %mul3A_806 : vector<16xf32>
        %broadcast_in_dim3A_808 = vector.shape_cast %and3A_7 : vector<16xi32> to vector<16x1xi32>
        %gather3A_809 = vector.shape_cast %broadcast_in_dim3A_808 : vector<16x1xi32> to vector<16xi32>
        %gather3A_810 = tpu.dynamic_gather %add3A_807[%gather3A_809] in [0] : vector<16xf32>, vector<16xi32> -> vector<16xf32>
        %add3A_811 = arith.addf %add3A_807, %gather3A_810 : vector<16xf32>
        %broadcast_in_dim3A_812 = vector.shape_cast %and3A_13 : vector<16xi32> to vector<16x1xi32>
        %gather3A_813 = vector.shape_cast %broadcast_in_dim3A_812 : vector<16x1xi32> to vector<16xi32>
        %gather3A_814 = tpu.dynamic_gather %add3A_811[%gather3A_813] in [0] : vector<16xf32>, vector<16xi32> -> vector<16xf32>
        %add3A_815 = arith.addf %add3A_811, %gather3A_814 : vector<16xf32>
        %broadcast_in_dim3A_816 = vector.shape_cast %and3A_19 : vector<16xi32> to vector<16x1xi32>
        %gather3A_817 = vector.shape_cast %broadcast_in_dim3A_816 : vector<16x1xi32> to vector<16xi32>
        %gather3A_818 = tpu.dynamic_gather %add3A_815[%gather3A_817] in [0] : vector<16xf32>, vector<16xi32> -> vector<16xf32>
        %add3A_819 = arith.addf %add3A_815, %gather3A_818 : vector<16xf32>
        %broadcast_in_dim3A_820 = vector.shape_cast %and3A_25 : vector<16xi32> to vector<16x1xi32>
        %gather3A_821 = vector.shape_cast %broadcast_in_dim3A_820 : vector<16x1xi32> to vector<16xi32>
        %gather3A_822 = tpu.dynamic_gather %add3A_819[%gather3A_821] in [0] : vector<16xf32>, vector<16xi32> -> vector<16xf32>
        %add3A_823 = arith.addf %add3A_819, %gather3A_822 : vector<16xf32>
        %eq3A_824 = arith.constant 13 : i32
        %eq3A_825 = vector.broadcast %eq3A_824 : i32 to vector<16xi32>
        %eq3A_826 = arith.cmpi eq, %iota3A, %eq3A_825 : vector<16xi32>
        %select_n3A_827 = arith.select %eq3A_826, %add3A_823, %select_n3A_778 : vector<16xi1>, vector<16xf32>
        %add3A_828 = arith.constant 14 : i32
        %add3A_829 = arith.addi %mul3A_126, %add3A_828 : i32
        %slice3A_830 = vector.extract_strided_slice %mul3A_139 {offsets = [14], sizes = [1], strides = [1]} : vector<16xi32> to vector<1xi32>
        %squeeze3A_831 = vector.extract %slice3A_830[0] : i32 from vector<1xi32>
        %slice3A_832 = vector.extract_strided_slice %mul3A_145 {offsets = [14], sizes = [1], strides = [1]} : vector<16xi32> to vector<1xi32>
        %squeeze3A_833 = vector.extract %slice3A_832[0] : i32 from vector<1xi32>
        %get3A_834 = arith.index_cast %add3A_829 : i32 to index
        %get3A_835 = arith.index_cast %squeeze3A_831 : i32 to index
        %get3A_836 = tpu.vector_load %arg11[%get3A_834, %get3A_835] {strides = array<i32>} : memref<256x128xf32, #tpu.memory_space<vmem>>, vector<1x16xf32>,
        %get3A_837 = vector.shape_cast %get3A_836 : vector<1x16xf32> to vector<16xf32>
        %add3A_838 = arith.constant 16 : i32
        %add3A_839 = arith.addi %squeeze3A_831, %add3A_838 : i32
        %get3A_840 = arith.index_cast %add3A_829 : i32 to index
        %get3A_841 = arith.index_cast %add3A_839 : i32 to index
        %get3A_842 = tpu.vector_load %arg11[%get3A_840, %get3A_841] {strides = array<i32>} : memref<256x128xf32, #tpu.memory_space<vmem>>, vector<1x16xf32>,
        %get3A_843 = vector.shape_cast %get3A_842 : vector<1x16xf32> to vector<16xf32>
        %get3A_844 = arith.index_cast %add3A_829 : i32 to index
        %get3A_845 = arith.index_cast %squeeze3A_833 : i32 to index
        %get3A_846 = tpu.vector_load %arg12[%get3A_844, %get3A_845] {strides = array<i32>} : memref<256x128xf32, #tpu.memory_space<vmem>>, vector<1x16xf32>,
        %get3A_847 = vector.shape_cast %get3A_846 : vector<1x16xf32> to vector<16xf32>
        %add3A_848 = arith.constant 16 : i32
        %add3A_849 = arith.addi %squeeze3A_833, %add3A_848 : i32
        %get3A_850 = arith.index_cast %add3A_829 : i32 to index
        %get3A_851 = arith.index_cast %add3A_849 : i32 to index
        %get3A_852 = tpu.vector_load %arg12[%get3A_850, %get3A_851] {strides = array<i32>} : memref<256x128xf32, #tpu.memory_space<vmem>>, vector<1x16xf32>,
        %get3A_853 = vector.shape_cast %get3A_852 : vector<1x16xf32> to vector<16xf32>
        %mul3A_854 = arith.mulf %get3A_837, %get3A_847 : vector<16xf32>
        %mul3A_855 = arith.mulf %get3A_843, %get3A_853 : vector<16xf32>
        %add3A_856 = arith.addf %mul3A_854, %mul3A_855 : vector<16xf32>
        %broadcast_in_dim3A_857 = vector.shape_cast %and3A_7 : vector<16xi32> to vector<16x1xi32>
        %gather3A_858 = vector.shape_cast %broadcast_in_dim3A_857 : vector<16x1xi32> to vector<16xi32>
        %gather3A_859 = tpu.dynamic_gather %add3A_856[%gather3A_858] in [0] : vector<16xf32>, vector<16xi32> -> vector<16xf32>
        %add3A_860 = arith.addf %add3A_856, %gather3A_859 : vector<16xf32>
        %broadcast_in_dim3A_861 = vector.shape_cast %and3A_13 : vector<16xi32> to vector<16x1xi32>
        %gather3A_862 = vector.shape_cast %broadcast_in_dim3A_861 : vector<16x1xi32> to vector<16xi32>
        %gather3A_863 = tpu.dynamic_gather %add3A_860[%gather3A_862] in [0] : vector<16xf32>, vector<16xi32> -> vector<16xf32>
        %add3A_864 = arith.addf %add3A_860, %gather3A_863 : vector<16xf32>
        %broadcast_in_dim3A_865 = vector.shape_cast %and3A_19 : vector<16xi32> to vector<16x1xi32>
        %gather3A_866 = vector.shape_cast %broadcast_in_dim3A_865 : vector<16x1xi32> to vector<16xi32>
        %gather3A_867 = tpu.dynamic_gather %add3A_864[%gather3A_866] in [0] : vector<16xf32>, vector<16xi32> -> vector<16xf32>
        %add3A_868 = arith.addf %add3A_864, %gather3A_867 : vector<16xf32>
        %broadcast_in_dim3A_869 = vector.shape_cast %and3A_25 : vector<16xi32> to vector<16x1xi32>
        %gather3A_870 = vector.shape_cast %broadcast_in_dim3A_869 : vector<16x1xi32> to vector<16xi32>
        %gather3A_871 = tpu.dynamic_gather %add3A_868[%gather3A_870] in [0] : vector<16xf32>, vector<16xi32> -> vector<16xf32>
        %add3A_872 = arith.addf %add3A_868, %gather3A_871 : vector<16xf32>
        %eq3A_873 = arith.constant 14 : i32
        %eq3A_874 = vector.broadcast %eq3A_873 : i32 to vector<16xi32>
        %eq3A_875 = arith.cmpi eq, %iota3A, %eq3A_874 : vector<16xi32>
        %select_n3A_876 = arith.select %eq3A_875, %add3A_872, %select_n3A_827 : vector<16xi1>, vector<16xf32>
        %add3A_877 = arith.constant 15 : i32
        %add3A_878 = arith.addi %mul3A_126, %add3A_877 : i32
        %slice3A_879 = vector.extract_strided_slice %mul3A_139 {offsets = [15], sizes = [1], strides = [1]} : vector<16xi32> to vector<1xi32>
        %squeeze3A_880 = vector.extract %slice3A_879[0] : i32 from vector<1xi32>
        %slice3A_881 = vector.extract_strided_slice %mul3A_145 {offsets = [15], sizes = [1], strides = [1]} : vector<16xi32> to vector<1xi32>
        %squeeze3A_882 = vector.extract %slice3A_881[0] : i32 from vector<1xi32>
        %get3A_883 = arith.index_cast %add3A_878 : i32 to index
        %get3A_884 = arith.index_cast %squeeze3A_880 : i32 to index
        %get3A_885 = tpu.vector_load %arg11[%get3A_883, %get3A_884] {strides = array<i32>} : memref<256x128xf32, #tpu.memory_space<vmem>>, vector<1x16xf32>,
        %get3A_886 = vector.shape_cast %get3A_885 : vector<1x16xf32> to vector<16xf32>
        %add3A_887 = arith.constant 16 : i32
        %add3A_888 = arith.addi %squeeze3A_880, %add3A_887 : i32
        %get3A_889 = arith.index_cast %add3A_878 : i32 to index
        %get3A_890 = arith.index_cast %add3A_888 : i32 to index
        %get3A_891 = tpu.vector_load %arg11[%get3A_889, %get3A_890] {strides = array<i32>} : memref<256x128xf32, #tpu.memory_space<vmem>>, vector<1x16xf32>,
        %get3A_892 = vector.shape_cast %get3A_891 : vector<1x16xf32> to vector<16xf32>
        %get3A_893 = arith.index_cast %add3A_878 : i32 to index
        %get3A_894 = arith.index_cast %squeeze3A_882 : i32 to index
        %get3A_895 = tpu.vector_load %arg12[%get3A_893, %get3A_894] {strides = array<i32>} : memref<256x128xf32, #tpu.memory_space<vmem>>, vector<1x16xf32>,
        %get3A_896 = vector.shape_cast %get3A_895 : vector<1x16xf32> to vector<16xf32>
        %add3A_897 = arith.constant 16 : i32
        %add3A_898 = arith.addi %squeeze3A_882, %add3A_897 : i32
        %get3A_899 = arith.index_cast %add3A_878 : i32 to index
        %get3A_900 = arith.index_cast %add3A_898 : i32 to index
        %get3A_901 = tpu.vector_load %arg12[%get3A_899, %get3A_900] {strides = array<i32>} : memref<256x128xf32, #tpu.memory_space<vmem>>, vector<1x16xf32>,
        %get3A_902 = vector.shape_cast %get3A_901 : vector<1x16xf32> to vector<16xf32>
        %mul3A_903 = arith.mulf %get3A_886, %get3A_896 : vector<16xf32>
        %mul3A_904 = arith.mulf %get3A_892, %get3A_902 : vector<16xf32>
        %add3A_905 = arith.addf %mul3A_903, %mul3A_904 : vector<16xf32>
        %broadcast_in_dim3A_906 = vector.shape_cast %and3A_7 : vector<16xi32> to vector<16x1xi32>
        %gather3A_907 = vector.shape_cast %broadcast_in_dim3A_906 : vector<16x1xi32> to vector<16xi32>
        %gather3A_908 = tpu.dynamic_gather %add3A_905[%gather3A_907] in [0] : vector<16xf32>, vector<16xi32> -> vector<16xf32>
        %add3A_909 = arith.addf %add3A_905, %gather3A_908 : vector<16xf32>
        %broadcast_in_dim3A_910 = vector.shape_cast %and3A_13 : vector<16xi32> to vector<16x1xi32>
        %gather3A_911 = vector.shape_cast %broadcast_in_dim3A_910 : vector<16x1xi32> to vector<16xi32>
        %gather3A_912 = tpu.dynamic_gather %add3A_909[%gather3A_911] in [0] : vector<16xf32>, vector<16xi32> -> vector<16xf32>
        %add3A_913 = arith.addf %add3A_909, %gather3A_912 : vector<16xf32>
        %broadcast_in_dim3A_914 = vector.shape_cast %and3A_19 : vector<16xi32> to vector<16x1xi32>
        %gather3A_915 = vector.shape_cast %broadcast_in_dim3A_914 : vector<16x1xi32> to vector<16xi32>
        %gather3A_916 = tpu.dynamic_gather %add3A_913[%gather3A_915] in [0] : vector<16xf32>, vector<16xi32> -> vector<16xf32>
        %add3A_917 = arith.addf %add3A_913, %gather3A_916 : vector<16xf32>
        %broadcast_in_dim3A_918 = vector.shape_cast %and3A_25 : vector<16xi32> to vector<16x1xi32>
        %gather3A_919 = vector.shape_cast %broadcast_in_dim3A_918 : vector<16x1xi32> to vector<16xi32>
        %gather3A_920 = tpu.dynamic_gather %add3A_917[%gather3A_919] in [0] : vector<16xf32>, vector<16xi32> -> vector<16xf32>
        %add3A_921 = arith.addf %add3A_917, %gather3A_920 : vector<16xf32>
        %eq3A_922 = arith.constant 15 : i32
        %eq3A_923 = vector.broadcast %eq3A_922 : i32 to vector<16xi32>
        %eq3A_924 = arith.cmpi eq, %iota3A, %eq3A_923 : vector<16xi32>
        %select_n3A_925 = arith.select %eq3A_924, %add3A_921, %select_n3A_876 : vector<16xi1>, vector<16xf32>
        %neg3A = arith.constant 0.000000e+00 : f32
        %neg3A_926 = vector.broadcast %neg3A : f32 to vector<16xf32>
        %neg3A_927 = arith.subf %neg3A_926, %select_n3A_925 : vector<16xf32>
        %exp3A = math.exp %neg3A_927 : vector<16xf32>
        %add3A_928 = arith.constant 1.000000e+00 : f32
        %add3A_929 = vector.broadcast %add3A_928 : f32 to vector<16xf32>
        %add3A_930 = arith.addf %add3A_929, %exp3A : vector<16xf32>
        %div3A = arith.constant 1.000000e+00 : f32
        %div3A_931 = vector.broadcast %div3A : f32 to vector<16xf32>
        %div3A_932 = arith.divf %div3A_931, %add3A_930 : vector<16xf32>
        %add3A_933 = arith.addi %mul3A_33, %mul3A_126 : i32
        %swap3A = arith.index_cast %add3A_933 : i32 to index
        %swap3A_934 = tpu.vector_load %arg13[%swap3A] {strides = array<i32>} : memref<512xf32, #tpu.memory_space<vmem>>, vector<16xf32>,
        %swap3A_935 = vector.shape_cast %swap3A_934 : vector<16xf32> to vector<16xf32>
        %swap3A_936 = vector.shape_cast %div3A_932 : vector<16xf32> to vector<16xf32>
        tpu.vector_store %arg13[%swap3A], %swap3A_936 {strides = array<i32>} : memref<512xf32, #tpu.memory_space<vmem>>, vector<16xf32>,
      }
      %scan3A_123 = arith.constant 16 : i32
    }
    %scan3A_30 = arith.constant 2 : i32
    "tpu.region"() ({
      %run_scoped3A = tpu.sem_alloc : memref<!tpu.dma_semaphore, #tpu.memory_space<semaphore_mem>>
      %dma_start3A = tpu.memref_slice %arg6[%mul3A_2] : memref<16384xf32, #tpu.memory_space<hbm>> -> memref<512xf32, #tpu.memory_space<hbm>>
      %dma_start3A_31 = tpu.memref_slice %arg6[%mul3A_2] : memref<16384xf32, #tpu.memory_space<hbm>> -> memref<512xf32, #tpu.memory_space<hbm>>
      tpu.enqueue_dma source(%arg13 : memref<512xf32, #tpu.memory_space<vmem>>) target(%dma_start3A_31 : memref<512xf32, #tpu.memory_space<hbm>>) target_semaphore(%run_scoped3A : memref<!tpu.dma_semaphore, #tpu.memory_space<semaphore_mem>>)
      %dma_wait3A = tpu.memref_slice %arg6[%mul3A_2] : memref<16384xf32, #tpu.memory_space<hbm>> -> memref<512xf32, #tpu.memory_space<hbm>>
      %dma_wait3A_32 = tpu.memref_slice %arg6[%mul3A_2] : memref<16384xf32, #tpu.memory_space<hbm>> -> memref<512xf32, #tpu.memory_space<hbm>>
      tpu.wait_dma2 semaphore(%run_scoped3A : memref<!tpu.dma_semaphore, #tpu.memory_space<semaphore_mem>>) src(%arg13 : memref<512xf32, #tpu.memory_space<vmem>>) dst(%dma_wait3A_32 : memref<512xf32, #tpu.memory_space<hbm>>)
      tpu.yield
    }) : () -> ()
    return
  }
}

module attributes {stable_mosaic.version = 14 : i64} {
  func.func @_relayout_body(%arg0: i32, %arg1: memref<32x16384xf32, #tpu.memory_space<vmem>>, %arg2: memref<4096x128xf32, #tpu.memory_space<vmem>>) attributes {dimension_semantics = [#tpu.dimension_semantics<arbitrary>], iteration_bounds = array<i64: 62>, scalar_prefetch = 0 : i64, scratch_operands = 0 : i64, tpu.core_type = #tpu.core_type<tc>, window_params = [{transform_indices = @transform_0, window_bounds = array<i64: 32, 16384>}, {transform_indices = @transform_1, window_bounds = array<i64: 4096, 128>}]} {
    %get3A = arith.constant 0 : index
    %get3A_0 = arith.constant 0 : index
    %get3A_1 = vector.load %arg1[%get3A, %get3A_0] : memref<32x16384xf32, #tpu.memory_space<vmem>>, vector<32x16384xf32>
    %transpose3A = tpu.transpose %get3A_1, [1, 0] : vector<32x16384xf32> -> vector<16384x32xf32>
    %reshape3A = vector.shape_cast %transpose3A : vector<16384x32xf32> to vector<4096x4x32xf32>
    %slice3A = vector.extract_strided_slice %reshape3A {offsets = [0, 0, 0], sizes = [4096, 1, 32], strides = [1, 1, 1]} : vector<4096x4x32xf32> to vector<4096x1x32xf32>
    %squeeze3A = vector.shape_cast %slice3A : vector<4096x1x32xf32> to vector<4096x32xf32>
    %slice3A_2 = vector.extract_strided_slice %reshape3A {offsets = [0, 1, 0], sizes = [4096, 1, 32], strides = [1, 1, 1]} : vector<4096x4x32xf32> to vector<4096x1x32xf32>
    %squeeze3A_3 = vector.shape_cast %slice3A_2 : vector<4096x1x32xf32> to vector<4096x32xf32>
    %slice3A_4 = vector.extract_strided_slice %reshape3A {offsets = [0, 2, 0], sizes = [4096, 1, 32], strides = [1, 1, 1]} : vector<4096x4x32xf32> to vector<4096x1x32xf32>
    %squeeze3A_5 = vector.shape_cast %slice3A_4 : vector<4096x1x32xf32> to vector<4096x32xf32>
    %slice3A_6 = vector.extract_strided_slice %reshape3A {offsets = [0, 3, 0], sizes = [4096, 1, 32], strides = [1, 1, 1]} : vector<4096x4x32xf32> to vector<4096x1x32xf32>
    %squeeze3A_7 = vector.shape_cast %slice3A_6 : vector<4096x1x32xf32> to vector<4096x32xf32>
    %concatenate3A = tpu.concatenate %squeeze3A, %squeeze3A_3, %squeeze3A_5, %squeeze3A_7 in 1 : vector<4096x32xf32>, vector<4096x32xf32>, vector<4096x32xf32>, vector<4096x32xf32> -> vector<4096x128xf32>
    %swap3A = arith.constant 0 : index
    %swap3A_8 = arith.constant 0 : index
    %swap3A_9 = vector.load %arg2[%swap3A, %swap3A_8] : memref<4096x128xf32, #tpu.memory_space<vmem>>, vector<4096x128xf32>
    tpu.vector_store %arg2[%swap3A, %swap3A_8], %concatenate3A {strides = array<i32>} : memref<4096x128xf32, #tpu.memory_space<vmem>>, vector<4096x128xf32>,
    return
  }
  func.func @transform_0(%arg0: i32) -> (i32, i32) {
    %c0_i32 = arith.constant 0 : i32
    %c0_i32_0 = arith.constant 0 : i32
    return %c0_i32, %arg0 : i32, i32
  }
  func.func @transform_1(%arg0: i32) -> (i32, i32) {
    %c0_i32 = arith.constant 0 : i32
    %c0_i32_0 = arith.constant 0 : i32
    return %arg0, %c0_i32 : i32, i32
  }
}

</mosaic_0001>

<sc_bundles>
// kernel: kernel.4.cloned.1.call-start
scs
__scs_entry_jumppad:
0x0: {  	(pc) =	sbr.rel $0x88, $3  }
0x1: {  	(tag) =	ssettag $0x0;
	lr =	simm.s32 $0x1  }
0x2: {  	[smem:$0x3F9D] =	sst lr;
	_ =	strace $0xD0000000  }
0x3: {  	_ = 	snop  }
0x4: {  	_ = 	snop  }
0x5: {  	_ = 	snop  }
0x6: {  	_ = 	snop  }
0x7: {  	_ = 	snop  }
__scs_overlays_trampoline_lowered:
0x8: {  	[smem:$0x3FAC] =	sst s0  }
0x9: {  	[smem:$0x3FAD] =	sst s1  }
0xa: {  	[smem:$0x3FAE] =	sst s2  }
0xb: {  	[smem:$0x3FAF] =	sst s3  }
0xc: {  	[smem:$0x3FB0] =	sst s4  }
0xd: {  	[smem:$0x3FB1] =	sst s5  }
0xe: {  	[smem:$0x3FB2] =	sst s6  }
0xf: {  	[smem:$0x3FB3] =	sst s7  }
0x10: {  	[smem:$0x3FB4] =	sst s8  }
0x11: {  	[smem:$0x3FB5] =	sst s9;
	s0 =	simm.s32 @!p0 $0x0  }
0x12: {  	s1 =	sld [smem:$0x3F9B];
	s0 =	simm.s32 @p0 $0x1  }
0x13: {  	[smem:$0x3FB6] =	sst s0;
	s0 =	simm.s32 @!p1 $0x0  }
0x14: {  	s2 =	sld [smem:$0x3F9A];
	s0 =	simm.s32 @p1 $0x1  }
0x15: {  	[smem:$0x3FB7] =	sst s0;
	s0 =	simm.s32 @!p2 $0x0  }
0x16: {  	s3 =	sld [smem:$0x3FDB];
	s0 =	simm.s32 @p2 $0x1  }
0x17: {  	s4 =	simm.s32 $0x1BF5;
	[smem:$0x3FB9] =	sst s0  }
0x18: {  	s0 =	sld [smem:$0x3F9C];
	_ =	swait.ge [sflag:s4], $0x0  }
0x19: {  	s7 =	sld [smem:$0x3F9D]  }
0x1a: {  	s8 =	sadd.s32 $0xFFFFE003, lr  }
0x1b: {  	s9 =	sadd.s32 $0xFFFFFEF7, lr;
	s5 =	simm.s32 $0xFFFFFFFF;
	p2 =	slt.u32 s8, $0xFFFFF086  }
0x1c: {  	p1 =	slt.u32 s9, $0xF7A;
	s5 =	simm.s32 @!p2 $0x0  }
0x1d: {  	s5 =	simm.s32 @p1 $0x1;
	p0 =	seq.s32 s7, s2  }
0x1e: {  	s7 =	smul.u32 @!p0 $0xF7A, s2;
	p2 =	seq.s32 @!p0 s5, $0x0  }
0x1f: {  	s9 =	smul.u32 $0xF7A, s1;
	s8 =	simm.s32 @!p0 $0x1BF5;
	p2 =	por !p2, p0  }
0x20: {  	[sflag:s8] =	ssyncset.s32 @!p0 $0xFFFFF086;
	s6 =	sadd.s32 @!p0 s3, s7;
	s7 =	simm.s32 @!p0 $0x108  }
0x21: {  	s3 =	sadd.s32 s3, s9;
	s6 =	sadd.s32 @!p0 $0x88, s6;
	s7 =	simm.s32 @p2 $0x1082  }
0x22: {  	[simem:s7], [sflag:s8] =	dma.local @!p0 [hbm:s6], $0xF7A  }
0x23: {  	s9 =	sor.u32 $0xD0000000, s2;
	s6 =	simm.s32 $0x108;
	_ =	swait.ge @!p0 [sflag:s8], $0x0  }
0x24: {  	s3 =	sadd.s32 $0x88, s3;
	s6 =	simm.s32 @!p1 $0x1082;
	[sflag:s4] =	ssyncset.s32 $0xFFFFF086  }
0x25: {  	[simem:s6], [sflag:s4] =	dma.local [hbm:s3], $0xF7A  }
0x26: {  	[smem:$0x3F9D] =	sst s1;
	(tag) =	ssettag s2;
	_ =	strace s9  }
0x27: {  	s1 =	sld [smem:$0x3FAD]  }
0x28: {  	s2 =	sld [smem:$0x3FAE]  }
0x29: {  	s4 =	sld [smem:$0x3FB0]  }
0x2a: {  	p0 =	seq.s32 s5, $0x0;
	s5 =	sld [smem:$0x3FB1]  }
0x2b: {  	s6 =	sld [smem:$0x3FB2]  }
0x2c: {  	s7 =	sld [smem:$0x3FB3]  }
0x2d: {  	s3 =	simm.s32 $0x108;
	s8 =	sld [smem:$0x3FB4]  }
0x2e: {  	s3 =	simm.s32 @!p0 $0x1082;
	s9 =	sld [smem:$0x3FB5]  }
0x2f: {  	lr =	sadd.s32 s0, s3;
	s0 =	sld [smem:$0x3FAC]  }
0x30: {  	s3 =	sld [smem:$0x3FAF]  }
0x31: {  	[smem:$0x3FB8] =	sst s10  }
0x32: {  	s10 =	sld [smem:$0x3FB6];
	_ =	sdelay $0x3  }
0x33: {  	p0 =	seq.s32 s10, $0x1;
	s10 =	sld [smem:$0x3FB8];
	_ =	sdelay $0x3  }
0x34: {  	[smem:$0x3FB8] =	sst s10  }
0x35: {  	s10 =	sld [smem:$0x3FB7];
	_ =	sdelay $0x3  }
0x36: {  	p1 =	seq.s32 s10, $0x1;
	s10 =	sld [smem:$0x3FB8];
	_ =	sdelay $0x3  }
0x37: {  	[smem:$0x3FB8] =	sst s10  }
0x38: {  	s10 =	sld [smem:$0x3FB9]  }
0x39: {  	_ = 	snop;
	(pc) =	sbr.ind lr, $3  }
0x3a: {  	_ = 	snop  }
0x3b: {  	_ = 	snop  }
0x3c: {  	p2 =	seq.s32 s10, $0x1;
	s10 =	sld [smem:$0x3FB8]  }
0x3d: {  	_ =	shalt  }
0x3e: {  	_ =	shalt  }
0x3f: {  	_ =	shalt  }
0x40: {  	_ =	shalt  }
0x41: {  	_ =	shalt  }
0x42: {  	_ =	shalt  }
0x43: {  	_ =	shalt  }
0x44: {  	_ =	shalt  }
0x45: {  	_ =	shalt  }
0x46: {  	_ =	shalt  }
0x47: {  	_ =	shalt  }
0x48: {  	_ =	shalt  }
0x49: {  	_ =	shalt  }
0x4a: {  	_ =	shalt  }
0x4b: {  	_ =	shalt  }
0x4c: {  	_ =	shalt  }
0x4d: {  	_ =	shalt  }
0x4e: {  	_ =	shalt  }
0x4f: {  	_ =	shalt  }
0x50: {  	_ =	shalt  }
0x51: {  	_ =	shalt  }
0x52: {  	_ =	shalt  }
0x53: {  	_ =	shalt  }
0x54: {  	_ =	shalt  }
0x55: {  	_ =	shalt  }
0x56: {  	_ =	shalt  }
0x57: {  	_ =	shalt  }
0x58: {  	_ =	shalt  }
0x59: {  	_ =	shalt  }
0x5a: {  	_ =	shalt  }
0x5b: {  	_ =	shalt  }
0x5c: {  	_ =	shalt  }
0x5d: {  	_ =	shalt  }
0x5e: {  	_ =	shalt  }
0x5f: {  	_ =	shalt  }
0x60: {  	_ =	shalt  }
0x61: {  	_ =	shalt  }
0x62: {  	_ =	shalt  }
0x63: {  	_ =	shalt  }
0x64: {  	_ =	shalt  }
0x65: {  	_ =	shalt  }
0x66: {  	_ =	shalt  }
0x67: {  	_ =	shalt  }
0x68: {  	_ =	shalt  }
0x69: {  	_ =	shalt  }
0x6a: {  	_ =	shalt  }
0x6b: {  	_ =	shalt  }
0x6c: {  	_ =	shalt  }
0x6d: {  	_ =	shalt  }
0x6e: {  	_ =	shalt  }
0x6f: {  	_ =	shalt  }
0x70: {  	_ =	shalt  }
0x71: {  	_ =	shalt  }
0x72: {  	_ =	shalt  }
0x73: {  	_ =	shalt  }
0x74: {  	_ =	shalt  }
0x75: {  	_ =	shalt  }
0x76: {  	_ =	shalt  }
0x77: {  	_ =	shalt  }
0x78: {  	_ =	shalt  }
0x79: {  	_ =	shalt  }
0x7a: {  	_ =	shalt  }
0x7b: {  	_ =	shalt  }
0x7c: {  	_ =	shalt  }
0x7d: {  	_ =	shalt  }
0x7e: {  	_ =	shalt  }
0x7f: {  	_ =	shalt  }
0x80: {  	_ =	shalt  }
0x81: {  	_ =	shalt  }
0x82: {  	_ =	shalt  }
0x83: {  	_ =	shalt  }
0x84: {  	_ =	shalt  }
0x85: {  	_ =	shalt  }
0x86: {  	_ =	shalt  }
0x87: {  	_ =	shalt  }
.Lfunc_end0:
.L_simem_size_0:
called_computation_lowered:
.L_overlay_start_0:
0x88: {  	s2 =	sld [smem:$0x3FD9]  }
0x89: {  	s3 =	sld [smem:$0x3FFE];
	_ =	sdelay $0x1  }
0x8a: {  	s1 =	srdreg.scid  }
0x8b: {  	s0 =	sand.u32 $0x1, s1  }
0x8c: {  	s17 =	sshll.u32 s0, $0xA;
	s2 =	sadd.s32 s3, s2  }
0x8d: {  	s2 =	sadd.s32 s2, s17  }
0x8e: {  	[smem:$0x3FC4] =	sst s2  }
0x8f: {  	_ = 	snop  }
0x90: {  	s2 =	sld [smem:$0x3FC9]  }
0x91: {  	s18 =	sld [smem:$0x3FC8]  }
0x92: {  	s4 =	sld [smem:$0x3FD0];
	(tm) =	ssettm $0x1  }
0x93: {  	s5 =	sld [smem:$0x3FFB];
	_ =	sdelay $0x3  }
0x94: {  	_ =	strace s5  }
0x95: {  	s5 =	sld [smem:$0x3FFC];
	_ =	sdelay $0x3  }
0x96: {  	_ =	strace s5  }
0x97: {  	s5 =	sld [smem:$0x3FFD];
	_ =	sdelay $0x3  }
0x98: {  	_ =	strace s5  }
0x99: {  	_ =	strace $0x8FFFFFFF  }
0x9a: {  	s19 =	sld [smem:$0x3FDB];
	_ =	sdelay $0x1  }
0x9b: {  	s6 =	simm.s32 $_scs_section_size  }
0x9c: {  	s7 =	simm.s32 $_size__tile_overlayer_lowered;
	s8 =	simm.s32 $_tile_overlayer_lowered  }
0x9d: {  	s22 =	simm.s32 $0x1BFF;
	s21 =	sshll.u32 s8, $0x1;
	s5 =	sadd.s32 s6, s19  }
0x9e: {  	s9 =	simm.s32 $0x0;
	s20 =	sshll.u32 s7, $0x1;
	s7 =	sadd.s32 s21, s5  }
0x9f: {  	[timem:s9], [sflag:s22] =	dma.local [hbm:s7], s20  }
0xa0: {  	_ =	swait.ge [sflag:s22], s20  }
0xa1: {  	s6 =	ssub.s32 $0x0, s20;
	[sflag:s22] =	ssyncset.done $0x0  }
0xa2: {  	[sflag:s22] =	ssyncadd.s32 s6;
	_ =	sdelay $0x1  }
0xa3: {  	s23 =	simm.s32 $0x1B8B  }
0xa4: {  	_ =	swait.ge [sflag:s23], $0x1  }
0xa5: {  	[sflag:s23] =	ssyncset.done $0x0  }
0xa6: {  	s25 =	simm.s32 $0x1B8E;
	s24 =	sld [smem:$0x3FFE];
	[sflag:s23] =	ssyncadd.s32 $0xFFFFFFFF  }
0xa7: {  	s26 =	simm.s32 $execute0_lowered;
	[smem:$0x3FD2] =	sst s25  }
0xa8: {  	s7 =	sshll.u32 s26, $0x1;
	_ =	strace $0x80000046;
	[dreg:$0x1] =	wrdreg $0xFFFFFFFF  }
0xa9: {  	s28 =	simm.s32 $_size_execute0_lowered;
	s5 =	sadd.s32 s5, s7;
	[dreg:$0x0] =	wrdreg $0x0  }
0xaa: {  	s7 =	sshll.u32 s28, $0x1;
	[dreg:$0x2] =	wrdreg s5  }
0xab: {  	[dreg:$0x3] =	wrdreg s7  }
0xac: {  	[dreg:$0x4] =	wrdreg $0xC0  }
0xad: {  	_ =	task [dreg:s9], $0x5FFFF  }
0xae: {  	[dreg:$0x1] =	wrdreg $0xFFFFFFFF  }
0xaf: {  	[dreg:$0x0] =	wrdreg $0x60  }
0xb0: {  	[dreg:$0x2] =	wrdreg s2  }
0xb1: {  	[dreg:$0x3] =	wrdreg s18  }
0xb2: {  	[dreg:$0x4] =	wrdreg s24  }
0xb3: {  	[dreg:$0x5] =	wrdreg s4  }
0xb4: {  	[dreg:$0x6] =	wrdreg $0x9  }
0xb5: {  	_ =	task.clear_ibuf [dreg:s9], $0x7FFFF;
	_ =	strace $0x90000046  }
0xb6: {  	s29 =	simm.s32 $0x9;
	_ =	strace $0x80000048  }
0xb7: {  	_ =	swait.ge [sflag:s29], $0x1  }
0xb8: {  	[sflag:s29] =	ssyncadd.s32 $0xFFFFFFFF  }
0xb9: {  	_ =	strace $0x90000048  }
0xba: {  	_ =	sfence  }
0xbb: {  	s30 =	sld [smem:$0x0];
	_ =	sdelay $0x2  }
0xbc: {  	s31 =	sshll.u32 s1, $0xD;
	s1 =	sshrl.u32 s1, $0x2  }
0xbd: {  	s3 =	sand.u32 $0x4000, s31;
	s1 =	sadd.s32 s1, s30  }
0xbe: {  	s0 =	sor.u32 s3, s0;
	s1 =	sshll.u32 s1, $0x11  }
0xbf: {  	s0 =	sor.u32 s1, s0  }
0xc0: {  	s0 =	sadd.s32 $0x8F2B, s0  }
0xc1: {  	[sflag:s0] =	ssyncadd.remote.s32 $0x1  }
0xc2: {  	_ =	sfence.sel $0xFFFF  }
0xc3: {  	[dreg:$0x0] =	wrdreg $0xFFFFFFFF;
	(pc) =	sbr.abs _section_cstart, $3  }
0xc4: {  	[dreg:$0x1] =	wrdreg $0xFFFFFFFF  }
0xc5: {  	_ =	task.clear_ibuf [dreg:s9], $0x2FFFF;
	_ =	strace $0x9FFFFFFF  }
0xc6: {  	(tm) =	ssettm $0x7FFFFFFF  }
0xc7: {  	_ =	shalt  }
tec
execute0_lowered:
.L_overlay_start_1:
0x0: {  	(tag) =	ssettag $0x1  }
0x1: {  	v0 =	vimm.s32 $0xFEDCBA98;
	v1 =	vimm.s32 $0x76543210;
	s5 =	rddreg [dreg:$0x0]  }
0x2: {  	s6 =	rddreg [dreg:$0x1];
	v2 =	vimm.s32 $0x3210FEDC;
	v3 =	vimm.s32 $0xBA987654;
	v4 =	vimm.s32 $0x10FEDCBA  }
0x3: {  	s4 =	rddreg [dreg:$0x2];
	v5 =	vimm.s32 $0x98765432;
	v6 =	vimm.s32 $0xFEDCBA9;
	v7 =	vimm.s32 $0x87654321  }
0x4: {  	s7 =	rddreg [dreg:$0x3];
	vm0 =	vmmov $0x1;
	vm1 =	vmmov $0x3;
	vm2 =	vmmov $0x7  }
0x5: {  	s0 =	rddreg [dreg:$0x4];
	vm3 =	vmmov $0xf;
	vm4 =	vmmov $0x1f;
	vm5 =	vmmov $0x3f  }
0x6: {  	s1 =	simm.s32 $0x0;
	s3 =	srdreg.scid;
	s2 =	stileid.u32;
	vm6 =	vmmov $0x7f;
	vm7 =	vmmov $0xff;
	vm8 =	vmmov $0x1ff  }
0x7: {  	s12 =	simm.s32 $0x400;
	s13 =	simm.s32 $0x600;
	s14 =	simm.s32 $0x500;
	vm9 =	vmmov $0x3ff;
	vm10 =	vmmov $0x7ff;
	vm11 =	vmmov $0xfff  }
0x8: {  	s15 =	simm.s32 $0x8600;
	s16 =	simm.s32 $0x480;
	s17 =	simm.s32 $0x4600;
	v0 =	vunpack.c.l.s4.s8 v0;
	v1 =	vunpack.c.l.s4.s8 v1;
	v2 =	vunpack.c.l.s4.s8 v2  }
0x9: {  	s18 =	simm.s32 $0x580;
	s19 =	simm.s32 $0xC600;
	s20 =	simm.s32 $0x1;
	v3 =	vunpack.c.l.s4.s8 v3;
	v4 =	vunpack.c.l.s4.s8 v4;
	v5 =	vunpack.c.l.s4.s8 v5  }
0xa: {  	s21 =	simm.s32 $0x2;
	s22 =	simm.s32 $0x10600;
	s23 =	simm.s32 $0x0;
	v6 =	vunpack.c.l.s4.s8 v6;
	v7 =	vunpack.c.l.s4.s8 v7;
	v0 =	vunpack.c.0.s8.s32 v0  }
0xb: {  	[smem:$0x7FF] =	sst s1;
	s3 =	sand.u32 $0x1, s3;
	s9 =	sshll.u32 s2, $0x7;
	v2 =	vunpack.c.0.s8.s32 v2;
	v3 =	vunpack.c.0.s8.s32 v3;
	v4 =	vunpack.c.0.s8.s32 v4  }
0xc: {  	_ =	strace $0x80000047;
	s8 =	ssub.s32 $0x2, s3;
	s10 =	sshll.u32 s3, $0x6;
	v5 =	vunpack.c.0.s8.s32 v5;
	v6 =	vunpack.c.0.s8.s32 v6;
	v7 =	vunpack.c.0.s8.s32 v7  }
0xd: {  	vm12 =	vmmov $0x1fff;
	s3 =	sadd.s32 $0xF42800, s4;
	s4 =	sadd.s32 $0x400, s4;
	v1 =	vunpack.c.0.s8.s32 v1;
	s11 =	sshrl.u32 s8, $0x1;
	v2 =	vcombine.low v3, v2  }
0xe: {  	s9 =	sor.u32 s10, s9;
	s10 =	simm.s32 $0x200;
	s8 =	ssub.s32 s8, s11;
	v3 =	vcombine.low v5, v4;
	v4 =	vcombine.low v7, v6;
	v0 =	vand.u32 $0xF, v0  }
0xf: {  	vm13 =	vmmov $0x3fff;
	vm14 =	vmmov $0x7fff;
	s5 =	sadd.s32 s5, s9;
	s6 =	sadd.s32 s6, s9;
	s7 =	sadd.s32 s7, s9;
	v0 =	vcombine.low v0, v1  }
0x10: {  	s9 =	simm.s32 $0x3;
	s11 =	simm.s32 $0x80;
	s8 =	smax.u32 s8, $0x1;
	v1 =	vand.u32 $0xF, v2;
	v2 =	vand.u32 $0xF, v3;
	v3 =	vand.u32 $0xF, v4  }
.LBB2_1:
0x11: {  	[tilespmem:s1], [sflag:$0x3] =	stream.linear.gather [hbm4b:s5+s1], $0x200, $0x38;
	[tilespmem:$0x10800] =	vst v63  }
0x12: {  	_ =	swait.ge [sflag:s9], $0x200  }
0x13: {  	[sflag:s9] =	ssyncset.done $0x0  }
0x14: {  	[sflag:s9] =	ssyncadd.s32 $0xFFFFFE00  }
0x15: {  	[tilespmem:s10], [sflag:$0x3] =	stream.linear.gather [hbm4b:s6+s1], $0x200, $0x38;
	[tilespmem:$0x10800] =	vst v63  }
0x16: {  	_ =	swait.ge [sflag:s9], $0x200  }
0x17: {  	[sflag:s9] =	ssyncset.done $0x0  }
0x18: {  	p1 =	por $0x1, $0x1;
	s24 =	simm.s32 $0x0;
	[sflag:s9] =	ssyncadd.s32 $0xFFFFFE00  }
.LBB2_2:
0x19: {  	v4 =	vld [tilespmem:s24+$0x0];
	_ =	sdelay $0x4  }
0x1a: {  	v4 =	vshra.s32 v4, $0x2  }
0x1b: {  	[tilespmem:$0x400] =	vst v4  }
0x1c: {  	v4 =	vld [tilespmem:s24+$0x200];
	_ =	sdelay $0x4  }
0x1d: {  	v4 =	vshra.s32 v4, $0x2  }
0x1e: {  	s25 =	sor.u32 $0x10, s24;
	[tilespmem:$0x500] =	vst v4  }
0x1f: {  	v4 =	vld [tilespmem:s25+$0x0];
	_ =	sdelay $0x4  }
0x20: {  	v4 =	vshra.s32 v4, $0x2  }
0x21: {  	[tilespmem:$0x410] =	vst v4  }
0x22: {  	v4 =	vld [tilespmem:s24+$0x210];
	_ =	sdelay $0x4  }
0x23: {  	v4 =	vshra.s32 v4, $0x2  }
0x24: {  	s29 =	sor.u32 $0x20, s24;
	[tilespmem:$0x510] =	vst v4  }
0x25: {  	v4 =	vld [tilespmem:s29+$0x0];
	_ =	sdelay $0x4  }
0x26: {  	v4 =	vshra.s32 v4, $0x2  }
0x27: {  	[tilespmem:$0x420] =	vst v4  }
0x28: {  	v4 =	vld [tilespmem:s24+$0x220];
	_ =	sdelay $0x4  }
0x29: {  	v4 =	vshra.s32 v4, $0x2  }
0x2a: {  	s30 =	sor.u32 $0x30, s24;
	[tilespmem:$0x520] =	vst v4  }
0x2b: {  	v4 =	vld [tilespmem:s30+$0x0];
	_ =	sdelay $0x4  }
0x2c: {  	v4 =	vshra.s32 v4, $0x2  }
0x2d: {  	[tilespmem:$0x430] =	vst v4  }
0x2e: {  	v4 =	vld [tilespmem:s24+$0x230];
	_ =	sdelay $0x4  }
0x2f: {  	v4 =	vshra.s32 v4, $0x2  }
0x30: {  	s31 =	sor.u32 $0x40, s24;
	[tilespmem:$0x530] =	vst v4  }
0x31: {  	v4 =	vld [tilespmem:s31+$0x0];
	_ =	sdelay $0x4  }
0x32: {  	v4 =	vshra.s32 v4, $0x2  }
0x33: {  	[tilespmem:$0x440] =	vst v4  }
0x34: {  	v4 =	vld [tilespmem:s24+$0x240];
	_ =	sdelay $0x4  }
0x35: {  	v4 =	vshra.s32 v4, $0x2  }
0x36: {  	s26 =	sor.u32 $0x50, s24;
	[tilespmem:$0x540] =	vst v4  }
0x37: {  	v4 =	vld [tilespmem:s26+$0x0];
	_ =	sdelay $0x4  }
0x38: {  	v4 =	vshra.s32 v4, $0x2  }
0x39: {  	[tilespmem:$0x450] =	vst v4  }
0x3a: {  	v4 =	vld [tilespmem:s24+$0x250];
	_ =	sdelay $0x4  }
0x3b: {  	v4 =	vshra.s32 v4, $0x2  }
0x3c: {  	s29 =	sor.u32 $0x60, s24;
	[tilespmem:$0x550] =	vst v4  }
0x3d: {  	v4 =	vld [tilespmem:s29+$0x0];
	_ =	sdelay $0x4  }
0x3e: {  	v4 =	vshra.s32 v4, $0x2  }
0x3f: {  	[tilespmem:$0x460] =	vst v4  }
0x40: {  	v4 =	vld [tilespmem:s24+$0x260];
	_ =	sdelay $0x4  }
0x41: {  	v4 =	vshra.s32 v4, $0x2  }
0x42: {  	s30 =	sor.u32 $0x70, s24;
	[tilespmem:$0x560] =	vst v4  }
0x43: {  	v4 =	vld [tilespmem:s30+$0x0];
	_ =	sdelay $0x4  }
0x44: {  	v4 =	vshra.s32 v4, $0x2  }
0x45: {  	[tilespmem:$0x470] =	vst v4  }
0x46: {  	v4 =	vld [tilespmem:s24+$0x270];
	_ =	sdelay $0x4  }
0x47: {  	v4 =	vshra.s32 v4, $0x2  }
0x48: {  	s31 =	sor.u32 $0x80, s24;
	[tilespmem:$0x570] =	vst v4  }
0x49: {  	v4 =	vld [tilespmem:s31+$0x0];
	_ =	sdelay $0x4  }
0x4a: {  	v4 =	vshra.s32 v4, $0x2  }
0x4b: {  	[tilespmem:$0x480] =	vst v4  }
0x4c: {  	v4 =	vld [tilespmem:s24+$0x280];
	_ =	sdelay $0x4  }
0x4d: {  	v4 =	vshra.s32 v4, $0x2  }
0x4e: {  	s26 =	sor.u32 $0x90, s24;
	[tilespmem:$0x580] =	vst v4  }
0x4f: {  	v4 =	vld [tilespmem:s26+$0x0];
	_ =	sdelay $0x4  }
0x50: {  	v4 =	vshra.s32 v4, $0x2  }
0x51: {  	[tilespmem:$0x490] =	vst v4  }
0x52: {  	v4 =	vld [tilespmem:s24+$0x290];
	_ =	sdelay $0x4  }
0x53: {  	v4 =	vshra.s32 v4, $0x2  }
0x54: {  	s29 =	sor.u32 $0xA0, s24;
	[tilespmem:$0x590] =	vst v4  }
0x55: {  	v4 =	vld [tilespmem:s29+$0x0];
	_ =	sdelay $0x4  }
0x56: {  	v4 =	vshra.s32 v4, $0x2  }
0x57: {  	[tilespmem:$0x4A0] =	vst v4  }
0x58: {  	v4 =	vld [tilespmem:s24+$0x2A0];
	_ =	sdelay $0x4  }
0x59: {  	v4 =	vshra.s32 v4, $0x2  }
0x5a: {  	s30 =	sor.u32 $0xB0, s24;
	[tilespmem:$0x5A0] =	vst v4  }
0x5b: {  	v4 =	vld [tilespmem:s30+$0x0];
	_ =	sdelay $0x4  }
0x5c: {  	v4 =	vshra.s32 v4, $0x2  }
0x5d: {  	[tilespmem:$0x4B0] =	vst v4  }
0x5e: {  	v4 =	vld [tilespmem:s24+$0x2B0];
	_ =	sdelay $0x4  }
0x5f: {  	v4 =	vshra.s32 v4, $0x2  }
0x60: {  	s31 =	sor.u32 $0xC0, s24;
	[tilespmem:$0x5B0] =	vst v4  }
0x61: {  	v4 =	vld [tilespmem:s31+$0x0];
	_ =	sdelay $0x4  }
0x62: {  	v4 =	vshra.s32 v4, $0x2  }
0x63: {  	[tilespmem:$0x4C0] =	vst v4  }
0x64: {  	v4 =	vld [tilespmem:s24+$0x2C0];
	_ =	sdelay $0x4  }
0x65: {  	v4 =	vshra.s32 v4, $0x2  }
0x66: {  	s26 =	sor.u32 $0xD0, s24;
	[tilespmem:$0x5C0] =	vst v4  }
0x67: {  	v4 =	vld [tilespmem:s26+$0x0];
	_ =	sdelay $0x4  }
0x68: {  	v4 =	vshra.s32 v4, $0x2  }
0x69: {  	[tilespmem:$0x4D0] =	vst v4  }
0x6a: {  	v4 =	vld [tilespmem:s24+$0x2D0];
	_ =	sdelay $0x4  }
0x6b: {  	v4 =	vshra.s32 v4, $0x2  }
0x6c: {  	s29 =	sor.u32 $0xE0, s24;
	[tilespmem:$0x5D0] =	vst v4  }
0x6d: {  	v4 =	vld [tilespmem:s29+$0x0];
	_ =	sdelay $0x4  }
0x6e: {  	v4 =	vshra.s32 v4, $0x2  }
0x6f: {  	[tilespmem:$0x4E0] =	vst v4  }
0x70: {  	v4 =	vld [tilespmem:s24+$0x2E0];
	_ =	sdelay $0x4  }
0x71: {  	v4 =	vshra.s32 v4, $0x2  }
0x72: {  	s30 =	sor.u32 $0xF0, s24;
	[tilespmem:$0x5E0] =	vst v4  }
0x73: {  	v4 =	vld [tilespmem:s30+$0x0];
	_ =	sdelay $0x4  }
0x74: {  	v4 =	vshra.s32 v4, $0x2  }
0x75: {  	[tilespmem:$0x4F0] =	vst v4  }
0x76: {  	v4 =	vld [tilespmem:s24+$0x2F0];
	_ =	sdelay $0x4  }
0x77: {  	v4 =	vshra.s32 v4, $0x2  }
0x78: {  	[tilespmem:$0x5F0] =	vst v4  }
0x79: {  	[tilespmem:s13], [sflag:$0x1] =	stream.indirect.gather [hbm4b:s3+s11], $0x80, s12, s11, $0xb8;
	[tilespmem:$0x10800] =	vst v63  }
0x7a: {  	_ = 	snop  }
0x7b: {  	[tilespmem:s15], [sflag:$0x2] =	stream.indirect.gather [hbm4b:s4+s11], $0x80, s14, s11, $0xb8;
	[tilespmem:$0x10800] =	vst v63  }
0x7c: {  	_ = 	snop  }
0x7d: {  	[tilespmem:s17], [sflag:$0x1] =	stream.indirect.gather [hbm4b:s3+s11], $0x80, s16, s11, $0xb8;
	[tilespmem:$0x10800] =	vst v63  }
0x7e: {  	_ = 	snop  }
0x7f: {  	[tilespmem:s19], [sflag:$0x2] =	stream.indirect.gather [hbm4b:s4+s11], $0x80, s18, s11, $0xb8;
	[tilespmem:$0x10800] =	vst v63  }
0x80: {  	_ =	swait.ge [sflag:s20], $0x4000  }
0x81: {  	[sflag:s20] =	ssyncset.done $0x0  }
0x82: {  	[sflag:s20] =	ssyncadd.s32 $0xFFFFC000  }
0x83: {  	_ =	swait.ge [sflag:s21], $0x4000  }
0x84: {  	[sflag:s21] =	ssyncset.done $0x0  }
0x85: {  	[sflag:s21] =	ssyncadd.s32 $0xFFFFC000  }
0x86: {  	_ =	swait.ge [sflag:s20], $0x4000  }
0x87: {  	[sflag:s20] =	ssyncset.done $0x0  }
0x88: {  	[sflag:s20] =	ssyncadd.s32 $0xFFFFC000  }
0x89: {  	p0 =	por p1, p1;
	s31 =	sshll.u32 s24, $0x2;
	_ =	swait.ge [sflag:s21], $0x4000  }
0x8a: {  	s28 =	simm.s32 $0x0;
	s24 =	sshra.s32 s31, $0x2;
	[sflag:s21] =	ssyncset.done $0x0  }
0x8b: {  	s25 =	sadd.s32 $0x200, s24;
	s26 =	sadd.s32 $0x10600, s24;
	[sflag:s21] =	ssyncadd.s32 $0xFFFFC000  }
.LBB2_3:
0x8c: {  	v4 =	vld [tilespmem:s24+$0x0];
	_ =	sdelay $0x1  }
0x8d: {  	v5 =	vld [tilespmem:s25+$0x0];
	_ =	sdelay $0x2  }
0x8e: {  	v4 =	vshll.u32 v4, $0x5  }
0x8f: {  	s29 =	sshra.s32 s28, $0x2;
	v4 =	vand.u32 $0x60, v4  }
0x90: {  	v6 =	vshll.u32 v5, $0x5;
	v5 =	vadd.s32 s29, v4  }
0x91: {  	(v2sf) =	vpush v5, $0x1;
	_ =	sdelay $0x1  }
0x92: {  	v4 =	vand.u32 $0x60, v6;
	(v2sf) =	vpush v5, $0x0  }
0x93: {  	v4 =	vadd.s32 s29, v4  }
0x94: {  	(v2sf) =	vpush v4, $0x1;
	_ =	sdelay $0x1  }
0x95: {  	(v2sf) =	vpush v4, $0x0;
	_ =	sdelay $0x1  }
0x96: {  	(v2sf) =	vpush v5, $0x3;
	_ =	sdelay $0x1  }
0x97: {  	(v2sf) =	vpush v5, $0x2;
	_ =	sdelay $0x1  }
0x98: {  	(v2sf) =	vpush v4, $0x3;
	_ =	sdelay $0x1  }
0x99: {  	(v2sf) =	vpush v4, $0x2  }
0x9a: {  	s29 =	spop (v2sf)  }
0x9b: {  	(v2sf) =	vpush v5, $0x5;
	v10 =	vld [tilespmem:s29+$0x680]  }
0x9c: {  	s30 =	spop (v2sf);
	v11 =	vld [tilespmem:s29+$0x690]  }
0x9d: {  	(v2sf) =	vpush v5, $0x4;
	v53 =	vld [tilespmem:s30+$0x600]  }
0x9e: {  	s31 =	spop (v2sf);
	v7 =	vld [tilespmem:s30+$0x610]  }
0x9f: {  	(v2sf) =	vpush v4, $0x5;
	v12 =	vld [tilespmem:s31+$0x8680]  }
0xa0: {  	s30 =	spop (v2sf);
	v13 =	vld [tilespmem:s31+$0x8690]  }
0xa1: {  	(v2sf) =	vpush v4, $0x4;
	v8 =	vld [tilespmem:s30+$0x8600]  }
0xa2: {  	v9 =	vld [tilespmem:s30+$0x8610];
	s29 =	spop (v2sf)  }
0xa3: {  	(v2sf) =	vpush v5, $0x7;
	v18 =	vld [tilespmem:s29+$0x780]  }
0xa4: {  	s30 =	spop (v2sf);
	v54 =	vld [tilespmem:s29+$0x790]  }
0xa5: {  	(v2sf) =	vpush v5, $0x6;
	v14 =	vld [tilespmem:s30+$0x700]  }
0xa6: {  	s31 =	spop (v2sf);
	v15 =	vld [tilespmem:s30+$0x710]  }
0xa7: {  	(v2sf) =	vpush v4, $0x7;
	v57 =	vld [tilespmem:s31+$0x8780]  }
0xa8: {  	s30 =	spop (v2sf);
	(v2sf) =	vpush v4, $0x6;
	v58 =	vld [tilespmem:s31+$0x8790]  }
0xa9: {  	v16 =	vld [tilespmem:s30+$0x8700];
	v55 =	vmul.f32 v12, v10;
	v56 =	vmul.f32 v13, v11  }
0xaa: {  	v17 =	vld [tilespmem:s30+$0x8710];
	s29 =	spop (v2sf)  }
0xab: {  	v7 =	vmul.f32 v9, v7;
	v9 =	vadd.f32 v56, v55;
	(v2sf) =	vpush v5, $0x9;
	v35 =	vld [tilespmem:s29+$0x880]  }
0xac: {  	v6 =	vmul.f32 v8, v53;
	s30 =	spop (v2sf);
	v37 =	vld [tilespmem:s29+$0x890]  }
0xad: {  	v31 =	vperm.xlane v9, v0;
	(v2sf) =	vpush v5, $0x8;
	v61 =	vld [tilespmem:s30+$0x800]  }
0xae: {  	v6 =	vadd.f32 v7, v6;
	v11 =	vmul.f32 v57, v18;
	v7 =	vmul.f32 v58, v54;
	s31 =	spop (v2sf);
	v63 =	vld [tilespmem:s30+$0x810]  }
0xaf: {  	v59 =	vmul.f32 v16, v14;
	v60 =	vmul.f32 v17, v15;
	(v2sf) =	vpush v4, $0x9;
	v39 =	vld [tilespmem:s31+$0x8880]  }
0xb0: {  	v62 =	vperm.xlane v6, v0;
	v9 =	vadd.f32 v9, v31;
	v7 =	vadd.f32 v7, v11;
	s30 =	spop (v2sf);
	v19 =	vld [tilespmem:s31+$0x8890]  }
0xb1: {  	v10 =	vadd.f32 v60, v59;
	(v2sf) =	vpush v4, $0x8;
	v32 =	vld [tilespmem:s30+$0x8800]  }
0xb2: {  	v6 =	vadd.f32 v6, v62;
	v38 =	vperm.xlane v9, v1;
	v40 =	vperm.xlane v7, v0;
	v33 =	vld [tilespmem:s30+$0x8810];
	s29 =	spop (v2sf)  }
0xb3: {  	v34 =	vperm.xlane v10, v0;
	(v2sf) =	vpush v5, $0xB;
	v24 =	vld [tilespmem:s29+$0x980]  }
0xb4: {  	v36 =	vperm.xlane v6, v1;
	v9 =	vadd.f32 v9, v38;
	v7 =	vadd.f32 v7, v40;
	s30 =	spop (v2sf);
	v46 =	vld [tilespmem:s29+$0x990]  }
0xb5: {  	v10 =	vadd.f32 v10, v34;
	(v2sf) =	vpush v5, $0xA;
	v20 =	vld [tilespmem:s30+$0x900]  }
0xb6: {  	v6 =	vadd.f32 v6, v36;
	v22 =	vperm.xlane v9, v2;
	s31 =	spop (v2sf);
	v42 =	vld [tilespmem:s30+$0x910];
	(v2sf) =	vpush v4, $0xB  }
0xb7: {  	v44 =	vperm.xlane v7, v1;
	v41 =	vperm.xlane v10, v1;
	s30 =	spop (v2sf);
	(v2sf) =	vpush v4, $0xA;
	v47 =	vld [tilespmem:s31+$0x8980]  }
0xb8: {  	v21 =	vperm.xlane v6, v2;
	v9 =	vadd.f32 v9, v22;
	v27 =	vld [tilespmem:s31+$0x8990]  }
0xb9: {  	v7 =	vadd.f32 v7, v44;
	v10 =	vadd.f32 v10, v41;
	v43 =	vld [tilespmem:s30+$0x8900]  }
0xba: {  	v6 =	vadd.f32 v6, v21;
	v23 =	vld [tilespmem:s30+$0x8910];
	v55 =	vmul.f32 v39, v35;
	v11 =	vmul.f32 v19, v37;
	s29 =	spop (v2sf)  }
0xbb: {  	v26 =	vperm.xlane v9, v3;
	v53 =	vmul.f32 v32, v61;
	(v2sf) =	vpush v5, $0xD;
	v54 =	vld [tilespmem:s29+$0xA80]  }
0xbc: {  	v8 =	vmul.f32 v33, v63;
	v45 =	vperm.xlane v10, v2;
	v60 =	vadd.f32 v11, v55;
	s30 =	spop (v2sf);
	v56 =	vld [tilespmem:s29+$0xA90]  }
0xbd: {  	v48 =	vperm.xlane v7, v2;
	v9 =	vadd.f32 v9, v26;
	(v2sf) =	vpush v5, $0xC;
	v28 =	vld [tilespmem:s30+$0xA00]  }
0xbe: {  	v25 =	vperm.xlane v6, v3;
	v8 =	vadd.f32 v8, v53;
	v10 =	vadd.f32 v10, v45;
	s31 =	spop (v2sf);
	v50 =	vld [tilespmem:s30+$0xA10]  }
0xbf: {  	v7 =	vadd.f32 v7, v48;
	v63 =	vmul.f32 v27, v46;
	(v2sf) =	vpush v4, $0xD;
	v59 =	vld [tilespmem:s31+$0x8A80]  }
0xc0: {  	v6 =	vadd.f32 v6, v25;
	v62 =	vperm.xlane v8, v0;
	v49 =	vperm.xlane v10, v3;
	s30 =	spop (v2sf);
	v61 =	vld [tilespmem:s31+$0x8A90]  }
0xc1: {  	v52 =	vperm.xlane v7, v3;
	v57 =	vmul.f32 v43, v20;
	(v2sf) =	vpush v4, $0xC;
	v51 =	vld [tilespmem:s30+$0x8A00]  }
0xc2: {  	v58 =	vmul.f32 v23, v42;
	v8 =	vadd.f32 v8, v62;
	v10 =	vadd.f32 v10, v49;
	v29 =	vld [tilespmem:s30+$0x8A10];
	s29 =	spop (v2sf)  }
0xc3: {  	v6 =	vsel vm0, v6, v9;
	v7 =	vadd.f32 v7, v52;
	(v2sf) =	vpush v5, $0xF;
	v12 =	vld [tilespmem:s29+$0xB80]  }
0xc4: {  	v32 =	vperm.xlane v8, v1;
	v6 =	vsel vm1, v6, v10;
	s30 =	spop (v2sf);
	(v2sf) =	vpush v5, $0xE;
	v15 =	vld [tilespmem:s29+$0xB90]  }
0xc5: {  	v10 =	vadd.f32 v58, v57;
	v5 =	vmul.f32 v47, v24;
	v14 =	vld [tilespmem:s30+$0xB00];
	s31 =	spop (v2sf);
	(v2sf) =	vpush v4, $0xF  }
0xc6: {  	v6 =	vsel vm2, v6, v7;
	v24 =	vperm.xlane v60, v0;
	v17 =	vld [tilespmem:s30+$0xB10];
	s30 =	spop (v2sf);
	(v2sf) =	vpush v4, $0xE  }
0xc7: {  	v4 =	vadd.f32 v63, v5;
	v11 =	vld [tilespmem:s31+$0x8B80];
	v5 =	vmul.f32 v51, v28;
	v29 =	vmul.f32 v29, v50  }
0xc8: {  	v8 =	vadd.f32 v8, v32;
	v27 =	vperm.xlane v10, v0;
	v7 =	vadd.f32 v60, v24;
	v19 =	vld [tilespmem:s31+$0x8B90]  }
0xc9: {  	v20 =	vld [tilespmem:s30+$0x8B00];
	v30 =	vmul.f32 v59, v54;
	v9 =	vmul.f32 v61, v56;
	v5 =	vadd.f32 v29, v5  }
0xca: {  	v38 =	vperm.xlane v8, v2;
	v10 =	vadd.f32 v10, v27;
	v21 =	vld [tilespmem:s30+$0x8B10];
	v31 =	vperm.xlane v4, v0;
	s29 =	spop (v2sf)  }
0xcb: {  	v18 =	vperm.xlane v7, v1;
	v9 =	vadd.f32 v9, v30;
	v33 =	vperm.xlane v5, v0;
	v45 =	vld [tilespmem:s29+$0xC80]  }
0xcc: {  	v8 =	vadd.f32 v8, v38;
	v34 =	vperm.xlane v10, v1;
	v4 =	vadd.f32 v4, v31;
	s30 =	spop (v2sf);
	v47 =	vld [tilespmem:s29+$0xC90]  }
0xcd: {  	v7 =	vadd.f32 v7, v18;
	v35 =	vperm.xlane v9, v0;
	v5 =	vadd.f32 v5, v33;
	v36 =	vld [tilespmem:s30+$0xC00]  }
0xce: {  	v48 =	vperm.xlane v8, v3;
	v10 =	vadd.f32 v10, v34;
	v37 =	vperm.xlane v4, v1;
	s31 =	spop (v2sf);
	v24 =	vld [tilespmem:s30+$0xC10]  }
0xcf: {  	v40 =	vperm.xlane v7, v2;
	v9 =	vadd.f32 v9, v35;
	v41 =	vperm.xlane v5, v1;
	v49 =	vld [tilespmem:s31+$0x8C80]  }
0xd0: {  	v8 =	vadd.f32 v8, v48;
	v43 =	vperm.xlane v10, v2;
	v4 =	vadd.f32 v4, v37;
	s30 =	spop (v2sf);
	v52 =	vld [tilespmem:s31+$0x8C90]  }
0xd1: {  	v7 =	vadd.f32 v7, v40;
	v44 =	vperm.xlane v9, v1;
	v39 =	vld [tilespmem:s30+$0x8C00];
	v5 =	vadd.f32 v5, v41  }
0xd2: {  	v34 =	vmul.f32 v19, v15;
	v10 =	vadd.f32 v10, v43;
	v46 =	vperm.xlane v4, v2;
	v42 =	vld [tilespmem:s30+$0x8C10];
	s29 =	spop (v2sf)  }
0xd3: {  	v50 =	vperm.xlane v7, v3;
	v9 =	vadd.f32 v9, v44;
	v61 =	vld [tilespmem:s29+$0xD80];
	v51 =	vperm.xlane v5, v2  }
0xd4: {  	v32 =	vmul.f32 v21, v17;
	v53 =	vperm.xlane v10, v3;
	v4 =	vadd.f32 v4, v46;
	s30 =	spop (v2sf);
	v62 =	vld [tilespmem:s29+$0xD90]  }
0xd5: {  	v7 =	vadd.f32 v7, v50;
	v30 =	vperm.xlane v9, v2;
	v31 =	vld [tilespmem:s30+$0xD00];
	v5 =	vadd.f32 v5, v51  }
0xd6: {  	v6 =	vsel vm3, v6, v8;
	v56 =	vadd.f32 v10, v53;
	s31 =	spop (v2sf);
	v54 =	vperm.xlane v4, v3;
	v55 =	vld [tilespmem:s30+$0xD10]  }
0xd7: {  	v6 =	vsel vm4, v6, v7;
	s30 =	spop (v2sf);
	v9 =	vadd.f32 v9, v30;
	v33 =	vld [tilespmem:s31+$0x8D80];
	v58 =	vperm.xlane v5, v3  }
0xd8: {  	v6 =	vsel vm5, v6, v56;
	v30 =	vmul.f32 v20, v14;
	v57 =	vld [tilespmem:s30+$0x8D00];
	v4 =	vadd.f32 v4, v54  }
0xd9: {  	v59 =	vld [tilespmem:s30+$0x8D10];
	v38 =	vmul.f32 v49, v45;
	v60 =	vperm.xlane v9, v3;
	v5 =	vadd.f32 v5, v58  }
0xda: {  	v35 =	vld [tilespmem:s31+$0x8D90];
	v36 =	vmul.f32 v39, v36;
	v37 =	vmul.f32 v42, v24;
	v4 =	vsel vm6, v6, v4  }
0xdb: {  	v8 =	vadd.f32 v32, v30;
	v4 =	vsel vm7, v4, v5;
	v5 =	vmul.f32 v11, v12  }
0xdc: {  	v39 =	vmul.f32 v52, v47;
	v63 =	vadd.f32 v9, v60;
	v7 =	vadd.f32 v37, v36  }
0xdd: {  	v41 =	vperm.xlane v8, v0;
	v14 =	vmul.f32 v33, v61;
	v5 =	vadd.f32 v34, v5  }
0xde: {  	v9 =	vadd.f32 v39, v38;
	v10 =	vmul.f32 v57, v31;
	v40 =	vmul.f32 v59, v55  }
0xdf: {  	v6 =	vmul.f32 v35, v62;
	v8 =	vadd.f32 v8, v41;
	v42 =	vperm.xlane v5, v0  }
0xe0: {  	v43 =	vperm.xlane v7, v0;
	v44 =	vperm.xlane v9, v0;
	v10 =	vadd.f32 v40, v10  }
0xe1: {  	v6 =	vadd.f32 v6, v14;
	v4 =	vsel vm8, v4, v63;
	v5 =	vadd.f32 v5, v42  }
0xe2: {  	v45 =	vperm.xlane v8, v1;
	v7 =	vadd.f32 v7, v43;
	v46 =	vperm.xlane v10, v0  }
0xe3: {  	v9 =	vadd.f32 v9, v44;
	v48 =	vperm.xlane v6, v0;
	v47 =	vperm.xlane v5, v1  }
0xe4: {  	v8 =	vadd.f32 v8, v45;
	v49 =	vperm.xlane v7, v1;
	v10 =	vadd.f32 v10, v46  }
0xe5: {  	v50 =	vperm.xlane v9, v1;
	v6 =	vadd.f32 v6, v48;
	v5 =	vadd.f32 v5, v47  }
0xe6: {  	v51 =	vperm.xlane v8, v2;
	v7 =	vadd.f32 v7, v49;
	v52 =	vperm.xlane v10, v1  }
0xe7: {  	v9 =	vadd.f32 v9, v50;
	v53 =	vperm.xlane v6, v1;
	v14 =	vperm.xlane v5, v2  }
0xe8: {  	v8 =	vadd.f32 v8, v51;
	v54 =	vperm.xlane v7, v2;
	v10 =	vadd.f32 v10, v52  }
0xe9: {  	v55 =	vperm.xlane v9, v2;
	v6 =	vadd.f32 v6, v53;
	v5 =	vadd.f32 v5, v14  }
0xea: {  	v56 =	vperm.xlane v8, v3;
	v7 =	vadd.f32 v7, v54;
	v57 =	vperm.xlane v10, v2  }
0xeb: {  	v9 =	vadd.f32 v9, v55;
	v58 =	vperm.xlane v6, v2;
	v14 =	vperm.xlane v5, v3  }
0xec: {  	v8 =	vadd.f32 v8, v56;
	v59 =	vperm.xlane v7, v3;
	v10 =	vadd.f32 v10, v57  }
0xed: {  	v60 =	vperm.xlane v9, v3;
	v6 =	vadd.f32 v6, v58;
	v5 =	vadd.f32 v5, v14  }
0xee: {  	v4 =	vsel vm9, v4, v8;
	v7 =	vadd.f32 v7, v59;
	v61 =	vperm.xlane v10, v3  }
0xef: {  	v62 =	vperm.xlane v6, v3;
	v4 =	vsel vm10, v4, v5;
	v5 =	vadd.f32 v9, v60  }
0xf0: {  	v63 =	vadd.f32 v10, v61;
	v4 =	vsel vm11, v4, v7  }
0xf1: {  	v4 =	vsel vm12, v4, v5;
	v5 =	vadd.f32 v6, v62  }
0xf2: {  	v4 =	vsel vm13, v4, v63  }
0xf3: {  	v4 =	vsel vm14, v4, v5  }
0xf4: {  	v4 =	vsub.f32 $0.0e+00, v4;
	_ =	sdelay $0x1  }
0xf5: {  	v4 =	vmul.f32 $1.442695020e+00, v4;
	_ =	sdelay $0x1  }
0xf6: {  	(erf) = vpow2.f32 v4;
	_ =	sdelay $0x8  }
0xf7: {  	v4 =	vpop (erf)  }
0xf8: {  	v4 =	vadd.f32 $1.000000000e+00, v4;
	_ =	sdelay $0x1  }
0xf9: {  	(erf) = vrcp.f32 v4;
	_ =	sdelay $0x4  }
0xfa: {  	p1 =	sne.s32 s28, $0x1E000  }
.Ltmp0:
0xfb: {  	_ = 	snop;
	(pc) =	sbr.rel @p1 .LBB2_3-.Ltmp0, $3  }
0xfc: {  	_ =	sdelay $0x1  }
0xfd: {  	s24 =	sadd.s32 $0x10, s24;
	v4 =	vpop (erf)  }
0xfe: {  	s25 =	sadd.s32 $0x10, s25;
	s28 =	sadd.s32 $0x2000, s28;
	[tilespmem:s26+$0x0] =	vst v4;
	s26 =	sadd.s32 $0x10, s26  }
.Ltmp1:
0xff: {  	(pc) =	sbr.rel @p0 .LBB2_2-.Ltmp1, $2  }
0x100: {  	_ =	sdelay $0x2  }
0x101: {  	s24 =	simm.s32 $0x100;
	p1 =	por $0x0, $0x0  }
0x102: {  	s23 =	sadd.s32 $0x1, s23  }
0x103: {  	p0 =	sne.s32 s23, s8  }
.Ltmp2:
0x104: {  	_ = 	snop;
	(pc) =	sbr.rel @p0 .LBB2_1-.Ltmp2, $4  }
0x105: {  	[hbm4b:s7+s1] =	stream.linear.scatter [tilespmem:s22], [sflag:$0x3], $0x200, $0x38;
	[tilespmem:$0x10800] =	vst v63  }
0x106: {  	_ =	swait.ge [sflag:s9], $0x200  }
0x107: {  	[sflag:s9] =	ssyncset.done $0x0  }
0x108: {  	[sflag:s9] =	ssyncadd.s32 $0xFFFFFE00  }
0x109: {  	_ =	sfence.sel $0x180000  }
0x10a: {  	[bflag:$0x0] =	sbarrier.arrive $0xFFFF  }
0x10b: {  	p0 =	sne.s32 s2, $0x0;
	_ =	strace $0x90000047  }
0x10c: {  	s0 =	sadd.s32 @!p0 $0x100000, s0;
	[bflag:$0x2] =	sbarrier.arrive $0xFFFF  }
0x10d: {  	[sflag:s0] =	ssyncadd.tile.s32 @!p0 $0x1;
	_ =	shalt  }
.Lfunc_end2:
_tile_overlayer_lowered:
.L_overlay_start_2:
0x10e: {  	(tag) =	ssettag $0x2  }
0x10f: {  	s0 =	rddreg [dreg:$0x0];
	s2 =	stileid.u32  }
0x110: {  	s1 =	rddreg [dreg:$0x1];
	p0 =	sne.s32 s2, $0x0  }
0x111: {  	s3 =	rddreg [dreg:$0x2];
	[bflag:$0x3] =	sbarrier.arrive $0xFFFF;
	s2 =	simm.s32 @!p0 $0x1C03  }
0x112: {  	[timem:s3], [sflag:s2] =	dma.local @!p0 [hbm:s0], s1  }
0x113: {  	s0 =	simm.s32 @!p0 $0x3  }
0x114: {  	_ =	swait.ge @!p0 [sflag:s0], s1  }
0x115: {  	s1 =	ssub.s32 @!p0 $0x0, s1;
	[sflag:s0] =	ssyncset.done @!p0 $0x0  }
0x116: {  	[sflag:s0] =	ssyncadd.s32 @!p0 s1  }
0x117: {  	[bflag:$0x3] =	sbarrier.arrive $0xFFFF  }
0x118: {  	_ =	shalt  }

</sc_bundles>
